<compile_context>
chip_gen: v7x
topology: tpu7x:2x2x1
jax: 0.10.2.dev20260603
libtpu: 0.0.44.dev20260713+nightly
codegen_flags: <defaults>
</compile_context>

<pallas_src>
import functools

import jax
import jax.numpy as jnp
from jax import lax
from jax.experimental import pallas as pl
from jax.experimental.pallas import tpu as pltpu
from jax.experimental.pallas import tpu_sc as plsc

D = 64
DP = 128
NC = 2
NS = 16
LANES = 16
CHUNK = 128
NBUF = 4
V_BLK = 16384


@functools.lru_cache(maxsize=None)
def _build_transpose(V):
    grid = pl.cdiv(V, V_BLK)

    def body(in_ref, o_ref):
        o_ref[:, :D] = in_ref[...].T

    return pl.pallas_call(
        body,
        grid=(grid,),
        in_specs=[pl.BlockSpec((D, V_BLK), lambda i: (0, i))],
        out_specs=pl.BlockSpec((V_BLK, DP), lambda i: (i, 0)),
        out_shape=jax.ShapeDtypeStruct((V, DP), jnp.float32),
    )


@functools.lru_cache(maxsize=None)
def _build_lookup(N, V, L_POS):
    NW = NC * NS
    per_w = N // NW
    nch = per_w // CHUNK

    mesh = plsc.VectorSubcoreMesh(core_axis_name="c", subcore_axis_name="s")

    @functools.partial(
        pl.kernel,
        mesh=mesh,
        out_type=jax.ShapeDtypeStruct((N, DP), jnp.float32),
        compiler_params=pltpu.CompilerParams(
            use_tc_tiling_on_sc=True, needs_layout_passes=False),
        scratch_types=[pltpu.VMEM((per_w,), jnp.int32),
                       pltpu.VMEM((L_POS // 2, DP), jnp.float32)]
                      + [pltpu.VMEM((CHUNK, DP), jnp.float32) for _ in range(NBUF)]
                      + [pltpu.SemaphoreType.DMA for _ in range(NBUF)]
                      + [pltpu.SemaphoreType.DMA for _ in range(NBUF)],
    )
    def k(x_hbm, tok_hbm, pos_hbm, out_hbm, idx_v, pos_v, *rest):
        bufs = rest[:NBUF]
        sems = rest[NBUF:NBUF + NBUF]
        osems = rest[NBUF + NBUF:]
        wid = lax.axis_index("s") * NC + lax.axis_index("c")
        base = wid * per_w

        pltpu.sync_copy(x_hbm.at[pl.ds(base, per_w)], idx_v)
        pltpu.sync_copy(pos_hbm, pos_v)

        def gather_start(c, b):
            pltpu.async_copy(
                tok_hbm.at[idx_v.at[pl.ds(c * CHUNK, CHUNK)]], bufs[b], sems[b])

        def gather_wait(b):
            pltpu.make_async_copy(
                tok_hbm.at[pl.ds(0, CHUNK)], bufs[b], sems[b]).wait()

        def add_pos(b, c):
            pbase = (c * CHUNK) % L_POS

            def row(r, carry):
                pr = pbase + r
                ph = pr // 2
                po = (pr % 2) * D
                for j in range(D // LANES):
                    plsc.addupdate(bufs[b].at[r, pl.ds(j * LANES, LANES)],
                                   pos_v[ph, pl.ds(po + j * LANES, LANES)])
                return carry
            lax.fori_loop(0, CHUNK, row, 0)

        def out_start(c, b):
            pltpu.async_copy(bufs[b],
                             out_hbm.at[pl.ds(base + c * CHUNK, CHUNK)],
                             osems[b])

        def out_wait(b):
            pltpu.make_async_copy(
                out_hbm.at[pl.ds(0, CHUNK)], bufs[b], osems[b]).wait()

        def do_chunk(c, b, handle_prev, start_prev_next):
            gather_wait(b)
            add_pos(b, c)
            out_start(c, b)
            if handle_prev:
                pb = (b - 1) % NBUF
                out_wait(pb)
                if start_prev_next:
                    gather_start(c - 1 + NBUF, pb)

        for b in range(NBUF):
            gather_start(b, b)

        for b in range(NBUF):
            do_chunk(b, b, b >= 1, True)

        def group(g, carry):
            c0 = g * NBUF
            for b in range(NBUF):
                do_chunk(c0 + b, b, True, True)
            return carry
        lax.fori_loop(1, nch // NBUF - 1, group, 0)
        for b in range(NBUF):
            c = nch - NBUF + b
            do_chunk(c, b, True, c - 1 + NBUF < nch)
        out_wait((nch - 1) % NBUF)

    return k


def kernel(x, token_table, pos_table):
    B, L = x.shape
    V = token_table.shape[0]
    xf = x.reshape(B * L).astype(jnp.int32)
    tok_p = _build_transpose(V)(token_table.T)
    pos_q = pos_table.reshape(L // 2, 2 * D)
    out = _build_lookup(B * L, V, L)(xf, tok_p, pos_q)
    return out[:, :D].reshape(B, L, D)

# --- scband reference (transcript-rebuilt; emitter-appended) ---
"""Pipeline reference for scband-positional-embedding-58497454572194 (READ-ONLY COPY).

The authoritative reference and input builder live on the scoring server;
editing this copy changes nothing except your own understanding.
"""

import jax, jax.numpy as jnp
import numpy as np

VOCAB = 1000000
D_MODEL = 64
MAX_SEQ = 512
B = 1024
L = 512

def setup_inputs(seed: int = 0) -> dict:
    key = jax.random.key(seed)
    k_x, k_tok, k_pos = jax.random.split(key, 3)
    x = jax.random.randint(k_x, (B, L), 0, VOCAB, dtype=jnp.int64) if jax.config.jax_enable_x64 else jax.random.randint(k_x, (B, L), 0, VOCAB, dtype=jnp.int32)
    token_table = jax.random.normal(k_tok, (VOCAB, D_MODEL), dtype=jnp.float32) * 0.02
    pos_table = jax.random.normal(k_pos, (MAX_SEQ, D_MODEL), dtype=jnp.float32) * 0.02
    return {"x": x, "token_table": token_table, "pos_table": pos_table}

def reference(x, token_table, pos_table):
    seq_len = x.shape[1]
    pos = jnp.arange(0, seq_len)[None, :]          # [1, L]
    token_emb = jnp.take(token_table, x, axis=0)   # [B, L, D]
    pos_emb = jnp.take(pos_table, pos, axis=0)     # [1, L, D]
    return token_emb + pos_emb

if __name__ == "__main__":
    import jax
    _d = setup_inputs()
    print(jax.jit(kernel)(*tuple(_d.values())))

</pallas_src>

<mosaic_0001>
#map = affine_map<(d0, d1) -> (0)>
#map1 = affine_map<(d0, d1) -> (0, 0)>
module attributes {stable_mosaic.version = 14 : i64} {
  func.func @k(%arg0: i32, %arg1: i32, %arg2: memref<524288xi32, #tpu.memory_space<hbm>>, %arg3: memref<1000000x128xf32, #tpu.memory_space<hbm>>, %arg4: memref<256x128xf32, #tpu.memory_space<hbm>>, %arg5: memref<524288x128xf32, #tpu.memory_space<hbm>>, %arg6: memref<16384xi32, #tpu.memory_space<vmem>>, %arg7: memref<256x128xf32, #tpu.memory_space<vmem>>, %arg8: memref<128x128xf32, #tpu.memory_space<vmem>>, %arg9: memref<128x128xf32, #tpu.memory_space<vmem>>, %arg10: memref<128x128xf32, #tpu.memory_space<vmem>>, %arg11: memref<128x128xf32, #tpu.memory_space<vmem>>, %arg12: memref<!tpu.dma_semaphore, #tpu.memory_space<semaphore_mem>>, %arg13: memref<!tpu.dma_semaphore, #tpu.memory_space<semaphore_mem>>, %arg14: memref<!tpu.dma_semaphore, #tpu.memory_space<semaphore_mem>>, %arg15: memref<!tpu.dma_semaphore, #tpu.memory_space<semaphore_mem>>, %arg16: memref<!tpu.dma_semaphore, #tpu.memory_space<semaphore_mem>>, %arg17: memref<!tpu.dma_semaphore, #tpu.memory_space<semaphore_mem>>, %arg18: memref<!tpu.dma_semaphore, #tpu.memory_space<semaphore_mem>>, %arg19: memref<!tpu.dma_semaphore, #tpu.memory_space<semaphore_mem>>) attributes {dimension_semantics = [#tpu.dimension_semantics<core_parallel>, #tpu.dimension_semantics<subcore_parallel>], iteration_bounds = array<i64: 2, 16>, scalar_prefetch = 0 : i64, scratch_operands = 14 : i64, tpu.core_type = #tpu.core_type<sc_vector_subcore>, window_params = [{transform_indices = #map}, {transform_indices = #map1}, {transform_indices = #map1}, {transform_indices = #map1}]} {
    %mul3A = arith.constant 2 : i32
    %mul3A_0 = arith.muli %arg1, %mul3A : i32
    %add3A = arith.addi %mul3A_0, %arg0 : i32
    %mul3A_1 = arith.constant 16384 : i32
    %mul3A_2 = arith.muli %add3A, %mul3A_1 : i32
    "tpu.region"() ({
      %run_scoped3A = tpu.sem_alloc : memref<!tpu.dma_semaphore, #tpu.memory_space<semaphore_mem>>
      %dma_start3A_238 = tpu.memref_slice %arg2[%mul3A_2] : memref<524288xi32, #tpu.memory_space<hbm>> -> memref<16384xi32, #tpu.memory_space<hbm>>
      %dma_start3A_239 = tpu.memref_slice %arg2[%mul3A_2] : memref<524288xi32, #tpu.memory_space<hbm>> -> memref<16384xi32, #tpu.memory_space<hbm>>
      tpu.enqueue_dma source(%dma_start3A_239 : memref<16384xi32, #tpu.memory_space<hbm>>) target(%arg6 : memref<16384xi32, #tpu.memory_space<vmem>>) target_semaphore(%run_scoped3A : memref<!tpu.dma_semaphore, #tpu.memory_space<semaphore_mem>>)
      %dma_wait3A_240 = tpu.memref_slice %arg2[%mul3A_2] : memref<524288xi32, #tpu.memory_space<hbm>> -> memref<16384xi32, #tpu.memory_space<hbm>>
      %dma_wait3A_241 = tpu.memref_slice %arg2[%mul3A_2] : memref<524288xi32, #tpu.memory_space<hbm>> -> memref<16384xi32, #tpu.memory_space<hbm>>
      tpu.wait_dma2 semaphore(%run_scoped3A : memref<!tpu.dma_semaphore, #tpu.memory_space<semaphore_mem>>) src(%dma_wait3A_241 : memref<16384xi32, #tpu.memory_space<hbm>>) dst(%arg6 : memref<16384xi32, #tpu.memory_space<vmem>>)
      tpu.yield
    }) : () -> ()
    "tpu.region"() ({
      %run_scoped3A = tpu.sem_alloc : memref<!tpu.dma_semaphore, #tpu.memory_space<semaphore_mem>>
      tpu.enqueue_dma source(%arg4 : memref<256x128xf32, #tpu.memory_space<hbm>>) target(%arg7 : memref<256x128xf32, #tpu.memory_space<vmem>>) target_semaphore(%run_scoped3A : memref<!tpu.dma_semaphore, #tpu.memory_space<semaphore_mem>>)
      tpu.wait_dma2 semaphore(%run_scoped3A : memref<!tpu.dma_semaphore, #tpu.memory_space<semaphore_mem>>) src(%arg4 : memref<256x128xf32, #tpu.memory_space<hbm>>) dst(%arg7 : memref<256x128xf32, #tpu.memory_space<vmem>>)
      tpu.yield
    }) : () -> ()
    %dma_start3A = arith.constant 0 : i32
    %dma_start3A_3 = tpu.memref_slice %arg6[%dma_start3A] : memref<16384xi32, #tpu.memory_space<vmem>> -> memref<128xi32, #tpu.memory_space<vmem>>
    %dma_start3A_4 = arith.constant 0 : i32
    %dma_start3A_5 = arith.constant 0 : i32
    %dma_start3A_6 = tpu.memref_slice %arg3[%dma_start3A_4, %dma_start3A_5] : memref<1000000x128xf32, #tpu.memory_space<hbm>> -> memref<1000000x128xf32, #tpu.memory_space<hbm>>
    tpu.enqueue_indirect_dma source(%dma_start3A_6 : memref<1000000x128xf32, #tpu.memory_space<hbm>>) target(%arg8 : memref<128x128xf32, #tpu.memory_space<vmem>>) offsets(%dma_start3A_3 : memref<128xi32, #tpu.memory_space<vmem>>) semaphore(%arg12 : memref<!tpu.dma_semaphore, #tpu.memory_space<semaphore_mem>>)
    %dma_start3A_7 = arith.constant 128 : i32
    %dma_start3A_8 = tpu.memref_slice %arg6[%dma_start3A_7] : memref<16384xi32, #tpu.memory_space<vmem>> -> memref<128xi32, #tpu.memory_space<vmem>>
    %dma_start3A_9 = arith.constant 0 : i32
    %dma_start3A_10 = arith.constant 0 : i32
    %dma_start3A_11 = tpu.memref_slice %arg3[%dma_start3A_9, %dma_start3A_10] : memref<1000000x128xf32, #tpu.memory_space<hbm>> -> memref<1000000x128xf32, #tpu.memory_space<hbm>>
    tpu.enqueue_indirect_dma source(%dma_start3A_11 : memref<1000000x128xf32, #tpu.memory_space<hbm>>) target(%arg9 : memref<128x128xf32, #tpu.memory_space<vmem>>) offsets(%dma_start3A_8 : memref<128xi32, #tpu.memory_space<vmem>>) semaphore(%arg13 : memref<!tpu.dma_semaphore, #tpu.memory_space<semaphore_mem>>)
    %dma_start3A_12 = arith.constant 256 : i32
    %dma_start3A_13 = tpu.memref_slice %arg6[%dma_start3A_12] : memref<16384xi32, #tpu.memory_space<vmem>> -> memref<128xi32, #tpu.memory_space<vmem>>
    %dma_start3A_14 = arith.constant 0 : i32
    %dma_start3A_15 = arith.constant 0 : i32
    %dma_start3A_16 = tpu.memref_slice %arg3[%dma_start3A_14, %dma_start3A_15] : memref<1000000x128xf32, #tpu.memory_space<hbm>> -> memref<1000000x128xf32, #tpu.memory_space<hbm>>
    tpu.enqueue_indirect_dma source(%dma_start3A_16 : memref<1000000x128xf32, #tpu.memory_space<hbm>>) target(%arg10 : memref<128x128xf32, #tpu.memory_space<vmem>>) offsets(%dma_start3A_13 : memref<128xi32, #tpu.memory_space<vmem>>) semaphore(%arg14 : memref<!tpu.dma_semaphore, #tpu.memory_space<semaphore_mem>>)
    %dma_start3A_17 = arith.constant 384 : i32
    %dma_start3A_18 = tpu.memref_slice %arg6[%dma_start3A_17] : memref<16384xi32, #tpu.memory_space<vmem>> -> memref<128xi32, #tpu.memory_space<vmem>>
    %dma_start3A_19 = arith.constant 0 : i32
    %dma_start3A_20 = arith.constant 0 : i32
    %dma_start3A_21 = tpu.memref_slice %arg3[%dma_start3A_19, %dma_start3A_20] : memref<1000000x128xf32, #tpu.memory_space<hbm>> -> memref<1000000x128xf32, #tpu.memory_space<hbm>>
    tpu.enqueue_indirect_dma source(%dma_start3A_21 : memref<1000000x128xf32, #tpu.memory_space<hbm>>) target(%arg11 : memref<128x128xf32, #tpu.memory_space<vmem>>) offsets(%dma_start3A_18 : memref<128xi32, #tpu.memory_space<vmem>>) semaphore(%arg15 : memref<!tpu.dma_semaphore, #tpu.memory_space<semaphore_mem>>)
    %dma_wait3A = arith.constant 0 : i32
    %dma_wait3A_22 = arith.constant 0 : i32
    %dma_wait3A_23 = tpu.memref_slice %arg3[%dma_wait3A, %dma_wait3A_22] : memref<1000000x128xf32, #tpu.memory_space<hbm>> -> memref<128x128xf32, #tpu.memory_space<hbm>>
    %dma_wait3A_24 = arith.constant 0 : i32
    %dma_wait3A_25 = arith.constant 0 : i32
    %dma_wait3A_26 = tpu.memref_slice %arg3[%dma_wait3A_24, %dma_wait3A_25] : memref<1000000x128xf32, #tpu.memory_space<hbm>> -> memref<128x128xf32, #tpu.memory_space<hbm>>
    tpu.wait_dma2 semaphore(%arg12 : memref<!tpu.dma_semaphore, #tpu.memory_space<semaphore_mem>>) src(%dma_wait3A_26 : memref<128x128xf32, #tpu.memory_space<hbm>>) dst(%arg8 : memref<128x128xf32, #tpu.memory_space<vmem>>)
    %scan3A = arith.constant 0 : i32
    %scan3A_27 = arith.constant 0 : i32
    %scan3A_28 = arith.constant 128 : i32
    %scan3A_29 = arith.addi %scan3A_27, %scan3A_28 : i32
    %scan3A_30 = arith.constant 1 : i32
    scf.for %scan3A_238 = %scan3A_27 to %scan3A_29 step %scan3A_30  : i32 {
      %add3A_239 = arith.constant 0 : i32
      %add3A_240 = arith.addi %add3A_239, %scan3A_238 : i32
      %jit3A = arith.constant 2 : i32
      %div3A = arith.divsi %add3A_240, %jit3A : i32
      %sign3A = arith.constant 0 : i32
      %sign3A_241 = arith.cmpi sgt, %add3A_240, %sign3A : i32
      %sign3A_242 = arith.extui %sign3A_241 : i1 to i32
      %sign3A_243 = arith.constant 0 : i32
      %sign3A_244 = arith.cmpi slt, %add3A_240, %sign3A_243 : i32
      %sign3A_245 = arith.extui %sign3A_244 : i1 to i32
      %sign3A_246 = arith.subi %sign3A_242, %sign3A_245 : i32
      %sign3A_247 = arith.constant 0 : i32
      %sign3A_248 = arith.cmpi sgt, %jit3A, %sign3A_247 : i32
      %sign3A_249 = arith.extui %sign3A_248 : i1 to i32
      %sign3A_250 = arith.constant 0 : i32
      %sign3A_251 = arith.cmpi slt, %jit3A, %sign3A_250 : i32
      %sign3A_252 = arith.extui %sign3A_251 : i1 to i32
      %sign3A_253 = arith.subi %sign3A_249, %sign3A_252 : i32
      %ne3A = arith.cmpi ne, %sign3A_246, %sign3A_253 : i32
      %rem3A = arith.remsi %add3A_240, %jit3A : i32
      %ne3A_254 = arith.constant 0 : i32
      %ne3A_255 = arith.cmpi ne, %rem3A, %ne3A_254 : i32
      %and3A = arith.andi %ne3A, %ne3A_255 : i1
      %sub3A = arith.constant 1 : i32
      %sub3A_256 = arith.subi %div3A, %sub3A : i32
      %select_n3A = arith.select %and3A, %sub3A_256, %div3A : i32
      %jit3A_257 = arith.constant 2 : i32
      %eq3A = arith.constant 0 : i32
      %eq3A_258 = arith.cmpi eq, %jit3A_257, %eq3A : i32
      %jit3A_259 = arith.constant 1 : i32
      %select_n3A_260 = arith.select %eq3A_258, %jit3A_259, %jit3A_257 : i32
      %rem3A_261 = arith.remsi %add3A_240, %select_n3A_260 : i32
      %ne3A_262 = arith.constant 0 : i32
      %ne3A_263 = arith.cmpi ne, %rem3A_261, %ne3A_262 : i32
      %lt3A = arith.constant 0 : i32
      %lt3A_264 = arith.cmpi slt, %rem3A_261, %lt3A : i32
      %lt3A_265 = arith.constant 0 : i32
      %lt3A_266 = arith.cmpi slt, %select_n3A_260, %lt3A_265 : i32
      %ne3A_267 = arith.xori %lt3A_264, %lt3A_266 : i1
      %and3A_268 = arith.andi %ne3A_267, %ne3A_263 : i1
      %add3A_269 = arith.addi %rem3A_261, %select_n3A_260 : i32
      %select_n3A_270 = arith.select %and3A_268, %add3A_269, %rem3A_261 : i32
      %mul3A_271 = arith.constant 64 : i32
      %mul3A_272 = arith.muli %select_n3A_270, %mul3A_271 : i32
      %add3A_273 = arith.constant 0 : i32
      %add3A_274 = arith.addi %mul3A_272, %add3A_273 : i32
      %get3A = arith.index_cast %select_n3A : i32 to index
      %get3A_275 = arith.index_cast %add3A_274 : i32 to index
      %get3A_276 = tpu.vector_load %arg7[%get3A, %get3A_275] {strides = array<i32>} : memref<256x128xf32, #tpu.memory_space<vmem>>, vector<16xf32>,
      %swap3A = arith.index_cast %scan3A_238 : i32 to index
      %swap3A_277 = arith.constant 0 : index
      %swap3A_278 = tpu.vector_load %arg8[%swap3A, %swap3A_277] {strides = array<i32>} : memref<128x128xf32, #tpu.memory_space<vmem>>, vector<16xf32>,
      tpu.vector_store %arg8[%swap3A, %swap3A_277], %get3A_276 {add = true, strides = array<i32>} : memref<128x128xf32, #tpu.memory_space<vmem>>, vector<16xf32>,
      %add3A_279 = arith.constant 16 : i32
      %add3A_280 = arith.addi %mul3A_272, %add3A_279 : i32
      %get3A_281 = arith.index_cast %select_n3A : i32 to index
      %get3A_282 = arith.index_cast %add3A_280 : i32 to index
      %get3A_283 = tpu.vector_load %arg7[%get3A_281, %get3A_282] {strides = array<i32>} : memref<256x128xf32, #tpu.memory_space<vmem>>, vector<16xf32>,
      %swap3A_284 = arith.index_cast %scan3A_238 : i32 to index
      %swap3A_285 = arith.constant 16 : index
      %swap3A_286 = tpu.vector_load %arg8[%swap3A_284, %swap3A_285] {strides = array<i32>} : memref<128x128xf32, #tpu.memory_space<vmem>>, vector<16xf32>,
      tpu.vector_store %arg8[%swap3A_284, %swap3A_285], %get3A_283 {add = true, strides = array<i32>} : memref<128x128xf32, #tpu.memory_space<vmem>>, vector<16xf32>,
      %add3A_287 = arith.constant 32 : i32
      %add3A_288 = arith.addi %mul3A_272, %add3A_287 : i32
      %get3A_289 = arith.index_cast %select_n3A : i32 to index
      %get3A_290 = arith.index_cast %add3A_288 : i32 to index
      %get3A_291 = tpu.vector_load %arg7[%get3A_289, %get3A_290] {strides = array<i32>} : memref<256x128xf32, #tpu.memory_space<vmem>>, vector<16xf32>,
      %swap3A_292 = arith.index_cast %scan3A_238 : i32 to index
      %swap3A_293 = arith.constant 32 : index
      %swap3A_294 = tpu.vector_load %arg8[%swap3A_292, %swap3A_293] {strides = array<i32>} : memref<128x128xf32, #tpu.memory_space<vmem>>, vector<16xf32>,
      tpu.vector_store %arg8[%swap3A_292, %swap3A_293], %get3A_291 {add = true, strides = array<i32>} : memref<128x128xf32, #tpu.memory_space<vmem>>, vector<16xf32>,
      %add3A_295 = arith.constant 48 : i32
      %add3A_296 = arith.addi %mul3A_272, %add3A_295 : i32
      %get3A_297 = arith.index_cast %select_n3A : i32 to index
      %get3A_298 = arith.index_cast %add3A_296 : i32 to index
      %get3A_299 = tpu.vector_load %arg7[%get3A_297, %get3A_298] {strides = array<i32>} : memref<256x128xf32, #tpu.memory_space<vmem>>, vector<16xf32>,
      %swap3A_300 = arith.index_cast %scan3A_238 : i32 to index
      %swap3A_301 = arith.constant 48 : index
      %swap3A_302 = tpu.vector_load %arg8[%swap3A_300, %swap3A_301] {strides = array<i32>} : memref<128x128xf32, #tpu.memory_space<vmem>>, vector<16xf32>,
      tpu.vector_store %arg8[%swap3A_300, %swap3A_301], %get3A_299 {add = true, strides = array<i32>} : memref<128x128xf32, #tpu.memory_space<vmem>>, vector<16xf32>,
    }
    %scan3A_31 = arith.constant 128 : i32
    %add3A_32 = arith.constant 0 : i32
    %add3A_33 = arith.addi %mul3A_2, %add3A_32 : i32
    %dma_start3A_34 = arith.constant 0 : i32
    %dma_start3A_35 = tpu.memref_slice %arg5[%add3A_33, %dma_start3A_34] : memref<524288x128xf32, #tpu.memory_space<hbm>> -> memref<128x128xf32, #tpu.memory_space<hbm>>
    %dma_start3A_36 = arith.constant 0 : i32
    %dma_start3A_37 = tpu.memref_slice %arg5[%add3A_33, %dma_start3A_36] : memref<524288x128xf32, #tpu.memory_space<hbm>> -> memref<128x128xf32, #tpu.memory_space<hbm>>
    tpu.enqueue_dma source(%arg8 : memref<128x128xf32, #tpu.memory_space<vmem>>) target(%dma_start3A_37 : memref<128x128xf32, #tpu.memory_space<hbm>>) target_semaphore(%arg16 : memref<!tpu.dma_semaphore, #tpu.memory_space<semaphore_mem>>)
    %dma_wait3A_38 = arith.constant 0 : i32
    %dma_wait3A_39 = arith.constant 0 : i32
    %dma_wait3A_40 = tpu.memref_slice %arg3[%dma_wait3A_38, %dma_wait3A_39] : memref<1000000x128xf32, #tpu.memory_space<hbm>> -> memref<128x128xf32, #tpu.memory_space<hbm>>
    %dma_wait3A_41 = arith.constant 0 : i32
    %dma_wait3A_42 = arith.constant 0 : i32
    %dma_wait3A_43 = tpu.memref_slice %arg3[%dma_wait3A_41, %dma_wait3A_42] : memref<1000000x128xf32, #tpu.memory_space<hbm>> -> memref<128x128xf32, #tpu.memory_space<hbm>>
    tpu.wait_dma2 semaphore(%arg13 : memref<!tpu.dma_semaphore, #tpu.memory_space<semaphore_mem>>) src(%dma_wait3A_43 : memref<128x128xf32, #tpu.memory_space<hbm>>) dst(%arg9 : memref<128x128xf32, #tpu.memory_space<vmem>>)
    %scan3A_44 = arith.constant 0 : i32
    %scan3A_45 = arith.constant 0 : i32
    %scan3A_46 = arith.constant 128 : i32
    %scan3A_47 = arith.addi %scan3A_45, %scan3A_46 : i32
    %scan3A_48 = arith.constant 1 : i32
    scf.for %scan3A_238 = %scan3A_45 to %scan3A_47 step %scan3A_48  : i32 {
      %add3A_239 = arith.constant 128 : i32
      %add3A_240 = arith.addi %add3A_239, %scan3A_238 : i32
      %jit3A = arith.constant 2 : i32
      %div3A = arith.divsi %add3A_240, %jit3A : i32
      %sign3A = arith.constant 0 : i32
      %sign3A_241 = arith.cmpi sgt, %add3A_240, %sign3A : i32
      %sign3A_242 = arith.extui %sign3A_241 : i1 to i32
      %sign3A_243 = arith.constant 0 : i32
      %sign3A_244 = arith.cmpi slt, %add3A_240, %sign3A_243 : i32
      %sign3A_245 = arith.extui %sign3A_244 : i1 to i32
      %sign3A_246 = arith.subi %sign3A_242, %sign3A_245 : i32
      %sign3A_247 = arith.constant 0 : i32
      %sign3A_248 = arith.cmpi sgt, %jit3A, %sign3A_247 : i32
      %sign3A_249 = arith.extui %sign3A_248 : i1 to i32
      %sign3A_250 = arith.constant 0 : i32
      %sign3A_251 = arith.cmpi slt, %jit3A, %sign3A_250 : i32
      %sign3A_252 = arith.extui %sign3A_251 : i1 to i32
      %sign3A_253 = arith.subi %sign3A_249, %sign3A_252 : i32
      %ne3A = arith.cmpi ne, %sign3A_246, %sign3A_253 : i32
      %rem3A = arith.remsi %add3A_240, %jit3A : i32
      %ne3A_254 = arith.constant 0 : i32
      %ne3A_255 = arith.cmpi ne, %rem3A, %ne3A_254 : i32
      %and3A = arith.andi %ne3A, %ne3A_255 : i1
      %sub3A = arith.constant 1 : i32
      %sub3A_256 = arith.subi %div3A, %sub3A : i32
      %select_n3A = arith.select %and3A, %sub3A_256, %div3A : i32
      %jit3A_257 = arith.constant 2 : i32
      %eq3A = arith.constant 0 : i32
      %eq3A_258 = arith.cmpi eq, %jit3A_257, %eq3A : i32
      %jit3A_259 = arith.constant 1 : i32
      %select_n3A_260 = arith.select %eq3A_258, %jit3A_259, %jit3A_257 : i32
      %rem3A_261 = arith.remsi %add3A_240, %select_n3A_260 : i32
      %ne3A_262 = arith.constant 0 : i32
      %ne3A_263 = arith.cmpi ne, %rem3A_261, %ne3A_262 : i32
      %lt3A = arith.constant 0 : i32
      %lt3A_264 = arith.cmpi slt, %rem3A_261, %lt3A : i32
      %lt3A_265 = arith.constant 0 : i32
      %lt3A_266 = arith.cmpi slt, %select_n3A_260, %lt3A_265 : i32
      %ne3A_267 = arith.xori %lt3A_264, %lt3A_266 : i1
      %and3A_268 = arith.andi %ne3A_267, %ne3A_263 : i1
      %add3A_269 = arith.addi %rem3A_261, %select_n3A_260 : i32
      %select_n3A_270 = arith.select %and3A_268, %add3A_269, %rem3A_261 : i32
      %mul3A_271 = arith.constant 64 : i32
      %mul3A_272 = arith.muli %select_n3A_270, %mul3A_271 : i32
      %add3A_273 = arith.constant 0 : i32
      %add3A_274 = arith.addi %mul3A_272, %add3A_273 : i32
      %get3A = arith.index_cast %select_n3A : i32 to index
      %get3A_275 = arith.index_cast %add3A_274 : i32 to index
      %get3A_276 = tpu.vector_load %arg7[%get3A, %get3A_275] {strides = array<i32>} : memref<256x128xf32, #tpu.memory_space<vmem>>, vector<16xf32>,
      %swap3A = arith.index_cast %scan3A_238 : i32 to index
      %swap3A_277 = arith.constant 0 : index
      %swap3A_278 = tpu.vector_load %arg9[%swap3A, %swap3A_277] {strides = array<i32>} : memref<128x128xf32, #tpu.memory_space<vmem>>, vector<16xf32>,
      tpu.vector_store %arg9[%swap3A, %swap3A_277], %get3A_276 {add = true, strides = array<i32>} : memref<128x128xf32, #tpu.memory_space<vmem>>, vector<16xf32>,
      %add3A_279 = arith.constant 16 : i32
      %add3A_280 = arith.addi %mul3A_272, %add3A_279 : i32
      %get3A_281 = arith.index_cast %select_n3A : i32 to index
      %get3A_282 = arith.index_cast %add3A_280 : i32 to index
      %get3A_283 = tpu.vector_load %arg7[%get3A_281, %get3A_282] {strides = array<i32>} : memref<256x128xf32, #tpu.memory_space<vmem>>, vector<16xf32>,
      %swap3A_284 = arith.index_cast %scan3A_238 : i32 to index
      %swap3A_285 = arith.constant 16 : index
      %swap3A_286 = tpu.vector_load %arg9[%swap3A_284, %swap3A_285] {strides = array<i32>} : memref<128x128xf32, #tpu.memory_space<vmem>>, vector<16xf32>,
      tpu.vector_store %arg9[%swap3A_284, %swap3A_285], %get3A_283 {add = true, strides = array<i32>} : memref<128x128xf32, #tpu.memory_space<vmem>>, vector<16xf32>,
      %add3A_287 = arith.constant 32 : i32
      %add3A_288 = arith.addi %mul3A_272, %add3A_287 : i32
      %get3A_289 = arith.index_cast %select_n3A : i32 to index
      %get3A_290 = arith.index_cast %add3A_288 : i32 to index
      %get3A_291 = tpu.vector_load %arg7[%get3A_289, %get3A_290] {strides = array<i32>} : memref<256x128xf32, #tpu.memory_space<vmem>>, vector<16xf32>,
      %swap3A_292 = arith.index_cast %scan3A_238 : i32 to index
      %swap3A_293 = arith.constant 32 : index
      %swap3A_294 = tpu.vector_load %arg9[%swap3A_292, %swap3A_293] {strides = array<i32>} : memref<128x128xf32, #tpu.memory_space<vmem>>, vector<16xf32>,
      tpu.vector_store %arg9[%swap3A_292, %swap3A_293], %get3A_291 {add = true, strides = array<i32>} : memref<128x128xf32, #tpu.memory_space<vmem>>, vector<16xf32>,
      %add3A_295 = arith.constant 48 : i32
      %add3A_296 = arith.addi %mul3A_272, %add3A_295 : i32
      %get3A_297 = arith.index_cast %select_n3A : i32 to index
      %get3A_298 = arith.index_cast %add3A_296 : i32 to index
      %get3A_299 = tpu.vector_load %arg7[%get3A_297, %get3A_298] {strides = array<i32>} : memref<256x128xf32, #tpu.memory_space<vmem>>, vector<16xf32>,
      %swap3A_300 = arith.index_cast %scan3A_238 : i32 to index
      %swap3A_301 = arith.constant 48 : index
      %swap3A_302 = tpu.vector_load %arg9[%swap3A_300, %swap3A_301] {strides = array<i32>} : memref<128x128xf32, #tpu.memory_space<vmem>>, vector<16xf32>,
      tpu.vector_store %arg9[%swap3A_300, %swap3A_301], %get3A_299 {add = true, strides = array<i32>} : memref<128x128xf32, #tpu.memory_space<vmem>>, vector<16xf32>,
    }
    %scan3A_49 = arith.constant 128 : i32
    %add3A_50 = arith.constant 128 : i32
    %add3A_51 = arith.addi %mul3A_2, %add3A_50 : i32
    %dma_start3A_52 = arith.constant 0 : i32
    %dma_start3A_53 = tpu.memref_slice %arg5[%add3A_51, %dma_start3A_52] : memref<524288x128xf32, #tpu.memory_space<hbm>> -> memref<128x128xf32, #tpu.memory_space<hbm>>
    %dma_start3A_54 = arith.constant 0 : i32
    %dma_start3A_55 = tpu.memref_slice %arg5[%add3A_51, %dma_start3A_54] : memref<524288x128xf32, #tpu.memory_space<hbm>> -> memref<128x128xf32, #tpu.memory_space<hbm>>
    tpu.enqueue_dma source(%arg9 : memref<128x128xf32, #tpu.memory_space<vmem>>) target(%dma_start3A_55 : memref<128x128xf32, #tpu.memory_space<hbm>>) target_semaphore(%arg17 : memref<!tpu.dma_semaphore, #tpu.memory_space<semaphore_mem>>)
    %dma_wait3A_56 = arith.constant 0 : i32
    %dma_wait3A_57 = arith.constant 0 : i32
    %dma_wait3A_58 = tpu.memref_slice %arg5[%dma_wait3A_56, %dma_wait3A_57] : memref<524288x128xf32, #tpu.memory_space<hbm>> -> memref<128x128xf32, #tpu.memory_space<hbm>>
    %dma_wait3A_59 = arith.constant 0 : i32
    %dma_wait3A_60 = arith.constant 0 : i32
    %dma_wait3A_61 = tpu.memref_slice %arg5[%dma_wait3A_59, %dma_wait3A_60] : memref<524288x128xf32, #tpu.memory_space<hbm>> -> memref<128x128xf32, #tpu.memory_space<hbm>>
    tpu.wait_dma2 semaphore(%arg16 : memref<!tpu.dma_semaphore, #tpu.memory_space<semaphore_mem>>) src(%dma_wait3A_61 : memref<128x128xf32, #tpu.memory_space<hbm>>) dst(%arg8 : memref<128x128xf32, #tpu.memory_space<vmem>>)
    %dma_start3A_62 = arith.constant 512 : i32
    %dma_start3A_63 = tpu.memref_slice %arg6[%dma_start3A_62] : memref<16384xi32, #tpu.memory_space<vmem>> -> memref<128xi32, #tpu.memory_space<vmem>>
    %dma_start3A_64 = arith.constant 0 : i32
    %dma_start3A_65 = arith.constant 0 : i32
    %dma_start3A_66 = tpu.memref_slice %arg3[%dma_start3A_64, %dma_start3A_65] : memref<1000000x128xf32, #tpu.memory_space<hbm>> -> memref<1000000x128xf32, #tpu.memory_space<hbm>>
    tpu.enqueue_indirect_dma source(%dma_start3A_66 : memref<1000000x128xf32, #tpu.memory_space<hbm>>) target(%arg8 : memref<128x128xf32, #tpu.memory_space<vmem>>) offsets(%dma_start3A_63 : memref<128xi32, #tpu.memory_space<vmem>>) semaphore(%arg12 : memref<!tpu.dma_semaphore, #tpu.memory_space<semaphore_mem>>)
    %dma_wait3A_67 = arith.constant 0 : i32
    %dma_wait3A_68 = arith.constant 0 : i32
    %dma_wait3A_69 = tpu.memref_slice %arg3[%dma_wait3A_67, %dma_wait3A_68] : memref<1000000x128xf32, #tpu.memory_space<hbm>> -> memref<128x128xf32, #tpu.memory_space<hbm>>
    %dma_wait3A_70 = arith.constant 0 : i32
    %dma_wait3A_71 = arith.constant 0 : i32
    %dma_wait3A_72 = tpu.memref_slice %arg3[%dma_wait3A_70, %dma_wait3A_71] : memref<1000000x128xf32, #tpu.memory_space<hbm>> -> memref<128x128xf32, #tpu.memory_space<hbm>>
    tpu.wait_dma2 semaphore(%arg14 : memref<!tpu.dma_semaphore, #tpu.memory_space<semaphore_mem>>) src(%dma_wait3A_72 : memref<128x128xf32, #tpu.memory_space<hbm>>) dst(%arg10 : memref<128x128xf32, #tpu.memory_space<vmem>>)
    %scan3A_73 = arith.constant 0 : i32
    %scan3A_74 = arith.constant 0 : i32
    %scan3A_75 = arith.constant 128 : i32
    %scan3A_76 = arith.addi %scan3A_74, %scan3A_75 : i32
    %scan3A_77 = arith.constant 1 : i32
    scf.for %scan3A_238 = %scan3A_74 to %scan3A_76 step %scan3A_77  : i32 {
      %add3A_239 = arith.constant 256 : i32
      %add3A_240 = arith.addi %add3A_239, %scan3A_238 : i32
      %jit3A = arith.constant 2 : i32
      %div3A = arith.divsi %add3A_240, %jit3A : i32
      %sign3A = arith.constant 0 : i32
      %sign3A_241 = arith.cmpi sgt, %add3A_240, %sign3A : i32
      %sign3A_242 = arith.extui %sign3A_241 : i1 to i32
      %sign3A_243 = arith.constant 0 : i32
      %sign3A_244 = arith.cmpi slt, %add3A_240, %sign3A_243 : i32
      %sign3A_245 = arith.extui %sign3A_244 : i1 to i32
      %sign3A_246 = arith.subi %sign3A_242, %sign3A_245 : i32
      %sign3A_247 = arith.constant 0 : i32
      %sign3A_248 = arith.cmpi sgt, %jit3A, %sign3A_247 : i32
      %sign3A_249 = arith.extui %sign3A_248 : i1 to i32
      %sign3A_250 = arith.constant 0 : i32
      %sign3A_251 = arith.cmpi slt, %jit3A, %sign3A_250 : i32
      %sign3A_252 = arith.extui %sign3A_251 : i1 to i32
      %sign3A_253 = arith.subi %sign3A_249, %sign3A_252 : i32
      %ne3A = arith.cmpi ne, %sign3A_246, %sign3A_253 : i32
      %rem3A = arith.remsi %add3A_240, %jit3A : i32
      %ne3A_254 = arith.constant 0 : i32
      %ne3A_255 = arith.cmpi ne, %rem3A, %ne3A_254 : i32
      %and3A = arith.andi %ne3A, %ne3A_255 : i1
      %sub3A = arith.constant 1 : i32
      %sub3A_256 = arith.subi %div3A, %sub3A : i32
      %select_n3A = arith.select %and3A, %sub3A_256, %div3A : i32
      %jit3A_257 = arith.constant 2 : i32
      %eq3A = arith.constant 0 : i32
      %eq3A_258 = arith.cmpi eq, %jit3A_257, %eq3A : i32
      %jit3A_259 = arith.constant 1 : i32
      %select_n3A_260 = arith.select %eq3A_258, %jit3A_259, %jit3A_257 : i32
      %rem3A_261 = arith.remsi %add3A_240, %select_n3A_260 : i32
      %ne3A_262 = arith.constant 0 : i32
      %ne3A_263 = arith.cmpi ne, %rem3A_261, %ne3A_262 : i32
      %lt3A = arith.constant 0 : i32
      %lt3A_264 = arith.cmpi slt, %rem3A_261, %lt3A : i32
      %lt3A_265 = arith.constant 0 : i32
      %lt3A_266 = arith.cmpi slt, %select_n3A_260, %lt3A_265 : i32
      %ne3A_267 = arith.xori %lt3A_264, %lt3A_266 : i1
      %and3A_268 = arith.andi %ne3A_267, %ne3A_263 : i1
      %add3A_269 = arith.addi %rem3A_261, %select_n3A_260 : i32
      %select_n3A_270 = arith.select %and3A_268, %add3A_269, %rem3A_261 : i32
      %mul3A_271 = arith.constant 64 : i32
      %mul3A_272 = arith.muli %select_n3A_270, %mul3A_271 : i32
      %add3A_273 = arith.constant 0 : i32
      %add3A_274 = arith.addi %mul3A_272, %add3A_273 : i32
      %get3A = arith.index_cast %select_n3A : i32 to index
      %get3A_275 = arith.index_cast %add3A_274 : i32 to index
      %get3A_276 = tpu.vector_load %arg7[%get3A, %get3A_275] {strides = array<i32>} : memref<256x128xf32, #tpu.memory_space<vmem>>, vector<16xf32>,
      %swap3A = arith.index_cast %scan3A_238 : i32 to index
      %swap3A_277 = arith.constant 0 : index
      %swap3A_278 = tpu.vector_load %arg10[%swap3A, %swap3A_277] {strides = array<i32>} : memref<128x128xf32, #tpu.memory_space<vmem>>, vector<16xf32>,
      tpu.vector_store %arg10[%swap3A, %swap3A_277], %get3A_276 {add = true, strides = array<i32>} : memref<128x128xf32, #tpu.memory_space<vmem>>, vector<16xf32>,
      %add3A_279 = arith.constant 16 : i32
      %add3A_280 = arith.addi %mul3A_272, %add3A_279 : i32
      %get3A_281 = arith.index_cast %select_n3A : i32 to index
      %get3A_282 = arith.index_cast %add3A_280 : i32 to index
      %get3A_283 = tpu.vector_load %arg7[%get3A_281, %get3A_282] {strides = array<i32>} : memref<256x128xf32, #tpu.memory_space<vmem>>, vector<16xf32>,
      %swap3A_284 = arith.index_cast %scan3A_238 : i32 to index
      %swap3A_285 = arith.constant 16 : index
      %swap3A_286 = tpu.vector_load %arg10[%swap3A_284, %swap3A_285] {strides = array<i32>} : memref<128x128xf32, #tpu.memory_space<vmem>>, vector<16xf32>,
      tpu.vector_store %arg10[%swap3A_284, %swap3A_285], %get3A_283 {add = true, strides = array<i32>} : memref<128x128xf32, #tpu.memory_space<vmem>>, vector<16xf32>,
      %add3A_287 = arith.constant 32 : i32
      %add3A_288 = arith.addi %mul3A_272, %add3A_287 : i32
      %get3A_289 = arith.index_cast %select_n3A : i32 to index
      %get3A_290 = arith.index_cast %add3A_288 : i32 to index
      %get3A_291 = tpu.vector_load %arg7[%get3A_289, %get3A_290] {strides = array<i32>} : memref<256x128xf32, #tpu.memory_space<vmem>>, vector<16xf32>,
      %swap3A_292 = arith.index_cast %scan3A_238 : i32 to index
      %swap3A_293 = arith.constant 32 : index
      %swap3A_294 = tpu.vector_load %arg10[%swap3A_292, %swap3A_293] {strides = array<i32>} : memref<128x128xf32, #tpu.memory_space<vmem>>, vector<16xf32>,
      tpu.vector_store %arg10[%swap3A_292, %swap3A_293], %get3A_291 {add = true, strides = array<i32>} : memref<128x128xf32, #tpu.memory_space<vmem>>, vector<16xf32>,
      %add3A_295 = arith.constant 48 : i32
      %add3A_296 = arith.addi %mul3A_272, %add3A_295 : i32
      %get3A_297 = arith.index_cast %select_n3A : i32 to index
      %get3A_298 = arith.index_cast %add3A_296 : i32 to index
      %get3A_299 = tpu.vector_load %arg7[%get3A_297, %get3A_298] {strides = array<i32>} : memref<256x128xf32, #tpu.memory_space<vmem>>, vector<16xf32>,
      %swap3A_300 = arith.index_cast %scan3A_238 : i32 to index
      %swap3A_301 = arith.constant 48 : index
      %swap3A_302 = tpu.vector_load %arg10[%swap3A_300, %swap3A_301] {strides = array<i32>} : memref<128x128xf32, #tpu.memory_space<vmem>>, vector<16xf32>,
      tpu.vector_store %arg10[%swap3A_300, %swap3A_301], %get3A_299 {add = true, strides = array<i32>} : memref<128x128xf32, #tpu.memory_space<vmem>>, vector<16xf32>,
    }
    %scan3A_78 = arith.constant 128 : i32
    %add3A_79 = arith.constant 256 : i32
    %add3A_80 = arith.addi %mul3A_2, %add3A_79 : i32
    %dma_start3A_81 = arith.constant 0 : i32
    %dma_start3A_82 = tpu.memref_slice %arg5[%add3A_80, %dma_start3A_81] : memref<524288x128xf32, #tpu.memory_space<hbm>> -> memref<128x128xf32, #tpu.memory_space<hbm>>
    %dma_start3A_83 = arith.constant 0 : i32
    %dma_start3A_84 = tpu.memref_slice %arg5[%add3A_80, %dma_start3A_83] : memref<524288x128xf32, #tpu.memory_space<hbm>> -> memref<128x128xf32, #tpu.memory_space<hbm>>
    tpu.enqueue_dma source(%arg10 : memref<128x128xf32, #tpu.memory_space<vmem>>) target(%dma_start3A_84 : memref<128x128xf32, #tpu.memory_space<hbm>>) target_semaphore(%arg18 : memref<!tpu.dma_semaphore, #tpu.memory_space<semaphore_mem>>)
    %dma_wait3A_85 = arith.constant 0 : i32
    %dma_wait3A_86 = arith.constant 0 : i32
    %dma_wait3A_87 = tpu.memref_slice %arg5[%dma_wait3A_85, %dma_wait3A_86] : memref<524288x128xf32, #tpu.memory_space<hbm>> -> memref<128x128xf32, #tpu.memory_space<hbm>>
    %dma_wait3A_88 = arith.constant 0 : i32
    %dma_wait3A_89 = arith.constant 0 : i32
    %dma_wait3A_90 = tpu.memref_slice %arg5[%dma_wait3A_88, %dma_wait3A_89] : memref<524288x128xf32, #tpu.memory_space<hbm>> -> memref<128x128xf32, #tpu.memory_space<hbm>>
    tpu.wait_dma2 semaphore(%arg17 : memref<!tpu.dma_semaphore, #tpu.memory_space<semaphore_mem>>) src(%dma_wait3A_90 : memref<128x128xf32, #tpu.memory_space<hbm>>) dst(%arg9 : memref<128x128xf32, #tpu.memory_space<vmem>>)
    %dma_start3A_91 = arith.constant 640 : i32
    %dma_start3A_92 = tpu.memref_slice %arg6[%dma_start3A_91] : memref<16384xi32, #tpu.memory_space<vmem>> -> memref<128xi32, #tpu.memory_space<vmem>>
    %dma_start3A_93 = arith.constant 0 : i32
    %dma_start3A_94 = arith.constant 0 : i32
    %dma_start3A_95 = tpu.memref_slice %arg3[%dma_start3A_93, %dma_start3A_94] : memref<1000000x128xf32, #tpu.memory_space<hbm>> -> memref<1000000x128xf32, #tpu.memory_space<hbm>>
    tpu.enqueue_indirect_dma source(%dma_start3A_95 : memref<1000000x128xf32, #tpu.memory_space<hbm>>) target(%arg9 : memref<128x128xf32, #tpu.memory_space<vmem>>) offsets(%dma_start3A_92 : memref<128xi32, #tpu.memory_space<vmem>>) semaphore(%arg13 : memref<!tpu.dma_semaphore, #tpu.memory_space<semaphore_mem>>)
    %dma_wait3A_96 = arith.constant 0 : i32
    %dma_wait3A_97 = arith.constant 0 : i32
    %dma_wait3A_98 = tpu.memref_slice %arg3[%dma_wait3A_96, %dma_wait3A_97] : memref<1000000x128xf32, #tpu.memory_space<hbm>> -> memref<128x128xf32, #tpu.memory_space<hbm>>
    %dma_wait3A_99 = arith.constant 0 : i32
    %dma_wait3A_100 = arith.constant 0 : i32
    %dma_wait3A_101 = tpu.memref_slice %arg3[%dma_wait3A_99, %dma_wait3A_100] : memref<1000000x128xf32, #tpu.memory_space<hbm>> -> memref<128x128xf32, #tpu.memory_space<hbm>>
    tpu.wait_dma2 semaphore(%arg15 : memref<!tpu.dma_semaphore, #tpu.memory_space<semaphore_mem>>) src(%dma_wait3A_101 : memref<128x128xf32, #tpu.memory_space<hbm>>) dst(%arg11 : memref<128x128xf32, #tpu.memory_space<vmem>>)
    %scan3A_102 = arith.constant 0 : i32
    %scan3A_103 = arith.constant 0 : i32
    %scan3A_104 = arith.constant 128 : i32
    %scan3A_105 = arith.addi %scan3A_103, %scan3A_104 : i32
    %scan3A_106 = arith.constant 1 : i32
    scf.for %scan3A_238 = %scan3A_103 to %scan3A_105 step %scan3A_106  : i32 {
      %add3A_239 = arith.constant 384 : i32
      %add3A_240 = arith.addi %add3A_239, %scan3A_238 : i32
      %jit3A = arith.constant 2 : i32
      %div3A = arith.divsi %add3A_240, %jit3A : i32
      %sign3A = arith.constant 0 : i32
      %sign3A_241 = arith.cmpi sgt, %add3A_240, %sign3A : i32
      %sign3A_242 = arith.extui %sign3A_241 : i1 to i32
      %sign3A_243 = arith.constant 0 : i32
      %sign3A_244 = arith.cmpi slt, %add3A_240, %sign3A_243 : i32
      %sign3A_245 = arith.extui %sign3A_244 : i1 to i32
      %sign3A_246 = arith.subi %sign3A_242, %sign3A_245 : i32
      %sign3A_247 = arith.constant 0 : i32
      %sign3A_248 = arith.cmpi sgt, %jit3A, %sign3A_247 : i32
      %sign3A_249 = arith.extui %sign3A_248 : i1 to i32
      %sign3A_250 = arith.constant 0 : i32
      %sign3A_251 = arith.cmpi slt, %jit3A, %sign3A_250 : i32
      %sign3A_252 = arith.extui %sign3A_251 : i1 to i32
      %sign3A_253 = arith.subi %sign3A_249, %sign3A_252 : i32
      %ne3A = arith.cmpi ne, %sign3A_246, %sign3A_253 : i32
      %rem3A = arith.remsi %add3A_240, %jit3A : i32
      %ne3A_254 = arith.constant 0 : i32
      %ne3A_255 = arith.cmpi ne, %rem3A, %ne3A_254 : i32
      %and3A = arith.andi %ne3A, %ne3A_255 : i1
      %sub3A = arith.constant 1 : i32
      %sub3A_256 = arith.subi %div3A, %sub3A : i32
      %select_n3A = arith.select %and3A, %sub3A_256, %div3A : i32
      %jit3A_257 = arith.constant 2 : i32
      %eq3A = arith.constant 0 : i32
      %eq3A_258 = arith.cmpi eq, %jit3A_257, %eq3A : i32
      %jit3A_259 = arith.constant 1 : i32
      %select_n3A_260 = arith.select %eq3A_258, %jit3A_259, %jit3A_257 : i32
      %rem3A_261 = arith.remsi %add3A_240, %select_n3A_260 : i32
      %ne3A_262 = arith.constant 0 : i32
      %ne3A_263 = arith.cmpi ne, %rem3A_261, %ne3A_262 : i32
      %lt3A = arith.constant 0 : i32
      %lt3A_264 = arith.cmpi slt, %rem3A_261, %lt3A : i32
      %lt3A_265 = arith.constant 0 : i32
      %lt3A_266 = arith.cmpi slt, %select_n3A_260, %lt3A_265 : i32
      %ne3A_267 = arith.xori %lt3A_264, %lt3A_266 : i1
      %and3A_268 = arith.andi %ne3A_267, %ne3A_263 : i1
      %add3A_269 = arith.addi %rem3A_261, %select_n3A_260 : i32
      %select_n3A_270 = arith.select %and3A_268, %add3A_269, %rem3A_261 : i32
      %mul3A_271 = arith.constant 64 : i32
      %mul3A_272 = arith.muli %select_n3A_270, %mul3A_271 : i32
      %add3A_273 = arith.constant 0 : i32
      %add3A_274 = arith.addi %mul3A_272, %add3A_273 : i32
      %get3A = arith.index_cast %select_n3A : i32 to index
      %get3A_275 = arith.index_cast %add3A_274 : i32 to index
      %get3A_276 = tpu.vector_load %arg7[%get3A, %get3A_275] {strides = array<i32>} : memref<256x128xf32, #tpu.memory_space<vmem>>, vector<16xf32>,
      %swap3A = arith.index_cast %scan3A_238 : i32 to index
      %swap3A_277 = arith.constant 0 : index
      %swap3A_278 = tpu.vector_load %arg11[%swap3A, %swap3A_277] {strides = array<i32>} : memref<128x128xf32, #tpu.memory_space<vmem>>, vector<16xf32>,
      tpu.vector_store %arg11[%swap3A, %swap3A_277], %get3A_276 {add = true, strides = array<i32>} : memref<128x128xf32, #tpu.memory_space<vmem>>, vector<16xf32>,
      %add3A_279 = arith.constant 16 : i32
      %add3A_280 = arith.addi %mul3A_272, %add3A_279 : i32
      %get3A_281 = arith.index_cast %select_n3A : i32 to index
      %get3A_282 = arith.index_cast %add3A_280 : i32 to index
      %get3A_283 = tpu.vector_load %arg7[%get3A_281, %get3A_282] {strides = array<i32>} : memref<256x128xf32, #tpu.memory_space<vmem>>, vector<16xf32>,
      %swap3A_284 = arith.index_cast %scan3A_238 : i32 to index
      %swap3A_285 = arith.constant 16 : index
      %swap3A_286 = tpu.vector_load %arg11[%swap3A_284, %swap3A_285] {strides = array<i32>} : memref<128x128xf32, #tpu.memory_space<vmem>>, vector<16xf32>,
      tpu.vector_store %arg11[%swap3A_284, %swap3A_285], %get3A_283 {add = true, strides = array<i32>} : memref<128x128xf32, #tpu.memory_space<vmem>>, vector<16xf32>,
      %add3A_287 = arith.constant 32 : i32
      %add3A_288 = arith.addi %mul3A_272, %add3A_287 : i32
      %get3A_289 = arith.index_cast %select_n3A : i32 to index
      %get3A_290 = arith.index_cast %add3A_288 : i32 to index
      %get3A_291 = tpu.vector_load %arg7[%get3A_289, %get3A_290] {strides = array<i32>} : memref<256x128xf32, #tpu.memory_space<vmem>>, vector<16xf32>,
      %swap3A_292 = arith.index_cast %scan3A_238 : i32 to index
      %swap3A_293 = arith.constant 32 : index
      %swap3A_294 = tpu.vector_load %arg11[%swap3A_292, %swap3A_293] {strides = array<i32>} : memref<128x128xf32, #tpu.memory_space<vmem>>, vector<16xf32>,
      tpu.vector_store %arg11[%swap3A_292, %swap3A_293], %get3A_291 {add = true, strides = array<i32>} : memref<128x128xf32, #tpu.memory_space<vmem>>, vector<16xf32>,
      %add3A_295 = arith.constant 48 : i32
      %add3A_296 = arith.addi %mul3A_272, %add3A_295 : i32
      %get3A_297 = arith.index_cast %select_n3A : i32 to index
      %get3A_298 = arith.index_cast %add3A_296 : i32 to index
      %get3A_299 = tpu.vector_load %arg7[%get3A_297, %get3A_298] {strides = array<i32>} : memref<256x128xf32, #tpu.memory_space<vmem>>, vector<16xf32>,
      %swap3A_300 = arith.index_cast %scan3A_238 : i32 to index
      %swap3A_301 = arith.constant 48 : index
      %swap3A_302 = tpu.vector_load %arg11[%swap3A_300, %swap3A_301] {strides = array<i32>} : memref<128x128xf32, #tpu.memory_space<vmem>>, vector<16xf32>,
      tpu.vector_store %arg11[%swap3A_300, %swap3A_301], %get3A_299 {add = true, strides = array<i32>} : memref<128x128xf32, #tpu.memory_space<vmem>>, vector<16xf32>,
    }
    %scan3A_107 = arith.constant 128 : i32
    %add3A_108 = arith.constant 384 : i32
    %add3A_109 = arith.addi %mul3A_2, %add3A_108 : i32
    %dma_start3A_110 = arith.constant 0 : i32
    %dma_start3A_111 = tpu.memref_slice %arg5[%add3A_109, %dma_start3A_110] : memref<524288x128xf32, #tpu.memory_space<hbm>> -> memref<128x128xf32, #tpu.memory_space<hbm>>
    %dma_start3A_112 = arith.constant 0 : i32
    %dma_start3A_113 = tpu.memref_slice %arg5[%add3A_109, %dma_start3A_112] : memref<524288x128xf32, #tpu.memory_space<hbm>> -> memref<128x128xf32, #tpu.memory_space<hbm>>
    tpu.enqueue_dma source(%arg11 : memref<128x128xf32, #tpu.memory_space<vmem>>) target(%dma_start3A_113 : memref<128x128xf32, #tpu.memory_space<hbm>>) target_semaphore(%arg19 : memref<!tpu.dma_semaphore, #tpu.memory_space<semaphore_mem>>)
    %dma_wait3A_114 = arith.constant 0 : i32
    %dma_wait3A_115 = arith.constant 0 : i32
    %dma_wait3A_116 = tpu.memref_slice %arg5[%dma_wait3A_114, %dma_wait3A_115] : memref<524288x128xf32, #tpu.memory_space<hbm>> -> memref<128x128xf32, #tpu.memory_space<hbm>>
    %dma_wait3A_117 = arith.constant 0 : i32
    %dma_wait3A_118 = arith.constant 0 : i32
    %dma_wait3A_119 = tpu.memref_slice %arg5[%dma_wait3A_117, %dma_wait3A_118] : memref<524288x128xf32, #tpu.memory_space<hbm>> -> memref<128x128xf32, #tpu.memory_space<hbm>>
    tpu.wait_dma2 semaphore(%arg18 : memref<!tpu.dma_semaphore, #tpu.memory_space<semaphore_mem>>) src(%dma_wait3A_119 : memref<128x128xf32, #tpu.memory_space<hbm>>) dst(%arg10 : memref<128x128xf32, #tpu.memory_space<vmem>>)
    %dma_start3A_120 = arith.constant 768 : i32
    %dma_start3A_121 = tpu.memref_slice %arg6[%dma_start3A_120] : memref<16384xi32, #tpu.memory_space<vmem>> -> memref<128xi32, #tpu.memory_space<vmem>>
    %dma_start3A_122 = arith.constant 0 : i32
    %dma_start3A_123 = arith.constant 0 : i32
    %dma_start3A_124 = tpu.memref_slice %arg3[%dma_start3A_122, %dma_start3A_123] : memref<1000000x128xf32, #tpu.memory_space<hbm>> -> memref<1000000x128xf32, #tpu.memory_space<hbm>>
    tpu.enqueue_indirect_dma source(%dma_start3A_124 : memref<1000000x128xf32, #tpu.memory_space<hbm>>) target(%arg10 : memref<128x128xf32, #tpu.memory_space<vmem>>) offsets(%dma_start3A_121 : memref<128xi32, #tpu.memory_space<vmem>>) semaphore(%arg14 : memref<!tpu.dma_semaphore, #tpu.memory_space<semaphore_mem>>)
    %scan3A_125 = arith.constant 0 : i32
    %scan3A_126 = arith.constant 1 : i32
    %scan3A_127 = arith.constant 30 : i32
    %scan3A_128 = arith.addi %scan3A_126, %scan3A_127 : i32
    %scan3A_129 = arith.constant 1 : i32
    scf.for %scan3A_238 = %scan3A_126 to %scan3A_128 step %scan3A_129  : i32 {
      %mul3A_239 = arith.constant 4 : i32
      %mul3A_240 = arith.muli %scan3A_238, %mul3A_239 : i32
      %add3A_241 = arith.constant 0 : i32
      %add3A_242 = arith.addi %mul3A_240, %add3A_241 : i32
      %dma_wait3A_243 = arith.constant 0 : i32
      %dma_wait3A_244 = arith.constant 0 : i32
      %dma_wait3A_245 = tpu.memref_slice %arg3[%dma_wait3A_243, %dma_wait3A_244] : memref<1000000x128xf32, #tpu.memory_space<hbm>> -> memref<128x128xf32, #tpu.memory_space<hbm>>
      %dma_wait3A_246 = arith.constant 0 : i32
      %dma_wait3A_247 = arith.constant 0 : i32
      %dma_wait3A_248 = tpu.memref_slice %arg3[%dma_wait3A_246, %dma_wait3A_247] : memref<1000000x128xf32, #tpu.memory_space<hbm>> -> memref<128x128xf32, #tpu.memory_space<hbm>>
      tpu.wait_dma2 semaphore(%arg12 : memref<!tpu.dma_semaphore, #tpu.memory_space<semaphore_mem>>) src(%dma_wait3A_248 : memref<128x128xf32, #tpu.memory_space<hbm>>) dst(%arg8 : memref<128x128xf32, #tpu.memory_space<vmem>>)
      %mul3A_249 = arith.constant 128 : i32
      %mul3A_250 = arith.muli %add3A_242, %mul3A_249 : i32
      %jit3A = arith.constant 512 : i32
      %eq3A = arith.constant 0 : i32
      %eq3A_251 = arith.cmpi eq, %jit3A, %eq3A : i32
      %jit3A_252 = arith.constant 1 : i32
      %select_n3A = arith.select %eq3A_251, %jit3A_252, %jit3A : i32
      %rem3A = arith.remsi %mul3A_250, %select_n3A : i32
      %ne3A = arith.constant 0 : i32
      %ne3A_253 = arith.cmpi ne, %rem3A, %ne3A : i32
      %lt3A = arith.constant 0 : i32
      %lt3A_254 = arith.cmpi slt, %rem3A, %lt3A : i32
      %lt3A_255 = arith.constant 0 : i32
      %lt3A_256 = arith.cmpi slt, %select_n3A, %lt3A_255 : i32
      %ne3A_257 = arith.xori %lt3A_254, %lt3A_256 : i1
      %and3A = arith.andi %ne3A_257, %ne3A_253 : i1
      %add3A_258 = arith.addi %rem3A, %select_n3A : i32
      %select_n3A_259 = arith.select %and3A, %add3A_258, %rem3A : i32
      %scan3A_260 = arith.constant 0 : i32
      %scan3A_261 = arith.constant 0 : i32
      %scan3A_262 = arith.constant 128 : i32
      %scan3A_263 = arith.addi %scan3A_261, %scan3A_262 : i32
      %scan3A_264 = arith.constant 1 : i32
      scf.for %scan3A_453 = %scan3A_261 to %scan3A_263 step %scan3A_264  : i32 {
        %add3A_454 = arith.addi %select_n3A_259, %scan3A_453 : i32
        %jit3A_455 = arith.constant 2 : i32
        %div3A = arith.divsi %add3A_454, %jit3A_455 : i32
        %sign3A = arith.constant 0 : i32
        %sign3A_456 = arith.cmpi sgt, %add3A_454, %sign3A : i32
        %sign3A_457 = arith.extui %sign3A_456 : i1 to i32
        %sign3A_458 = arith.constant 0 : i32
        %sign3A_459 = arith.cmpi slt, %add3A_454, %sign3A_458 : i32
        %sign3A_460 = arith.extui %sign3A_459 : i1 to i32
        %sign3A_461 = arith.subi %sign3A_457, %sign3A_460 : i32
        %sign3A_462 = arith.constant 0 : i32
        %sign3A_463 = arith.cmpi sgt, %jit3A_455, %sign3A_462 : i32
        %sign3A_464 = arith.extui %sign3A_463 : i1 to i32
        %sign3A_465 = arith.constant 0 : i32
        %sign3A_466 = arith.cmpi slt, %jit3A_455, %sign3A_465 : i32
        %sign3A_467 = arith.extui %sign3A_466 : i1 to i32
        %sign3A_468 = arith.subi %sign3A_464, %sign3A_467 : i32
        %ne3A_469 = arith.cmpi ne, %sign3A_461, %sign3A_468 : i32
        %rem3A_470 = arith.remsi %add3A_454, %jit3A_455 : i32
        %ne3A_471 = arith.constant 0 : i32
        %ne3A_472 = arith.cmpi ne, %rem3A_470, %ne3A_471 : i32
        %and3A_473 = arith.andi %ne3A_469, %ne3A_472 : i1
        %sub3A_474 = arith.constant 1 : i32
        %sub3A_475 = arith.subi %div3A, %sub3A_474 : i32
        %select_n3A_476 = arith.select %and3A_473, %sub3A_475, %div3A : i32
        %jit3A_477 = arith.constant 2 : i32
        %eq3A_478 = arith.constant 0 : i32
        %eq3A_479 = arith.cmpi eq, %jit3A_477, %eq3A_478 : i32
        %jit3A_480 = arith.constant 1 : i32
        %select_n3A_481 = arith.select %eq3A_479, %jit3A_480, %jit3A_477 : i32
        %rem3A_482 = arith.remsi %add3A_454, %select_n3A_481 : i32
        %ne3A_483 = arith.constant 0 : i32
        %ne3A_484 = arith.cmpi ne, %rem3A_482, %ne3A_483 : i32
        %lt3A_485 = arith.constant 0 : i32
        %lt3A_486 = arith.cmpi slt, %rem3A_482, %lt3A_485 : i32
        %lt3A_487 = arith.constant 0 : i32
        %lt3A_488 = arith.cmpi slt, %select_n3A_481, %lt3A_487 : i32
        %ne3A_489 = arith.xori %lt3A_486, %lt3A_488 : i1
        %and3A_490 = arith.andi %ne3A_489, %ne3A_484 : i1
        %add3A_491 = arith.addi %rem3A_482, %select_n3A_481 : i32
        %select_n3A_492 = arith.select %and3A_490, %add3A_491, %rem3A_482 : i32
        %mul3A_493 = arith.constant 64 : i32
        %mul3A_494 = arith.muli %select_n3A_492, %mul3A_493 : i32
        %add3A_495 = arith.constant 0 : i32
        %add3A_496 = arith.addi %mul3A_494, %add3A_495 : i32
        %get3A = arith.index_cast %select_n3A_476 : i32 to index
        %get3A_497 = arith.index_cast %add3A_496 : i32 to index
        %get3A_498 = tpu.vector_load %arg7[%get3A, %get3A_497] {strides = array<i32>} : memref<256x128xf32, #tpu.memory_space<vmem>>, vector<16xf32>,
        %swap3A = arith.index_cast %scan3A_453 : i32 to index
        %swap3A_499 = arith.constant 0 : index
        %swap3A_500 = tpu.vector_load %arg8[%swap3A, %swap3A_499] {strides = array<i32>} : memref<128x128xf32, #tpu.memory_space<vmem>>, vector<16xf32>,
        tpu.vector_store %arg8[%swap3A, %swap3A_499], %get3A_498 {add = true, strides = array<i32>} : memref<128x128xf32, #tpu.memory_space<vmem>>, vector<16xf32>,
        %add3A_501 = arith.constant 16 : i32
        %add3A_502 = arith.addi %mul3A_494, %add3A_501 : i32
        %get3A_503 = arith.index_cast %select_n3A_476 : i32 to index
        %get3A_504 = arith.index_cast %add3A_502 : i32 to index
        %get3A_505 = tpu.vector_load %arg7[%get3A_503, %get3A_504] {strides = array<i32>} : memref<256x128xf32, #tpu.memory_space<vmem>>, vector<16xf32>,
        %swap3A_506 = arith.index_cast %scan3A_453 : i32 to index
        %swap3A_507 = arith.constant 16 : index
        %swap3A_508 = tpu.vector_load %arg8[%swap3A_506, %swap3A_507] {strides = array<i32>} : memref<128x128xf32, #tpu.memory_space<vmem>>, vector<16xf32>,
        tpu.vector_store %arg8[%swap3A_506, %swap3A_507], %get3A_505 {add = true, strides = array<i32>} : memref<128x128xf32, #tpu.memory_space<vmem>>, vector<16xf32>,
        %add3A_509 = arith.constant 32 : i32
        %add3A_510 = arith.addi %mul3A_494, %add3A_509 : i32
        %get3A_511 = arith.index_cast %select_n3A_476 : i32 to index
        %get3A_512 = arith.index_cast %add3A_510 : i32 to index
        %get3A_513 = tpu.vector_load %arg7[%get3A_511, %get3A_512] {strides = array<i32>} : memref<256x128xf32, #tpu.memory_space<vmem>>, vector<16xf32>,
        %swap3A_514 = arith.index_cast %scan3A_453 : i32 to index
        %swap3A_515 = arith.constant 32 : index
        %swap3A_516 = tpu.vector_load %arg8[%swap3A_514, %swap3A_515] {strides = array<i32>} : memref<128x128xf32, #tpu.memory_space<vmem>>, vector<16xf32>,
        tpu.vector_store %arg8[%swap3A_514, %swap3A_515], %get3A_513 {add = true, strides = array<i32>} : memref<128x128xf32, #tpu.memory_space<vmem>>, vector<16xf32>,
        %add3A_517 = arith.constant 48 : i32
        %add3A_518 = arith.addi %mul3A_494, %add3A_517 : i32
        %get3A_519 = arith.index_cast %select_n3A_476 : i32 to index
        %get3A_520 = arith.index_cast %add3A_518 : i32 to index
        %get3A_521 = tpu.vector_load %arg7[%get3A_519, %get3A_520] {strides = array<i32>} : memref<256x128xf32, #tpu.memory_space<vmem>>, vector<16xf32>,
        %swap3A_522 = arith.index_cast %scan3A_453 : i32 to index
        %swap3A_523 = arith.constant 48 : index
        %swap3A_524 = tpu.vector_load %arg8[%swap3A_522, %swap3A_523] {strides = array<i32>} : memref<128x128xf32, #tpu.memory_space<vmem>>, vector<16xf32>,
        tpu.vector_store %arg8[%swap3A_522, %swap3A_523], %get3A_521 {add = true, strides = array<i32>} : memref<128x128xf32, #tpu.memory_space<vmem>>, vector<16xf32>,
      }
      %scan3A_265 = arith.constant 128 : i32
      %mul3A_266 = arith.constant 128 : i32
      %mul3A_267 = arith.muli %add3A_242, %mul3A_266 : i32
      %add3A_268 = arith.addi %mul3A_2, %mul3A_267 : i32
      %dma_start3A_269 = arith.constant 0 : i32
      %dma_start3A_270 = tpu.memref_slice %arg5[%add3A_268, %dma_start3A_269] : memref<524288x128xf32, #tpu.memory_space<hbm>> -> memref<128x128xf32, #tpu.memory_space<hbm>>
      %dma_start3A_271 = arith.constant 0 : i32
      %dma_start3A_272 = tpu.memref_slice %arg5[%add3A_268, %dma_start3A_271] : memref<524288x128xf32, #tpu.memory_space<hbm>> -> memref<128x128xf32, #tpu.memory_space<hbm>>
      tpu.enqueue_dma source(%arg8 : memref<128x128xf32, #tpu.memory_space<vmem>>) target(%dma_start3A_272 : memref<128x128xf32, #tpu.memory_space<hbm>>) target_semaphore(%arg16 : memref<!tpu.dma_semaphore, #tpu.memory_space<semaphore_mem>>)
      %dma_wait3A_273 = arith.constant 0 : i32
      %dma_wait3A_274 = arith.constant 0 : i32
      %dma_wait3A_275 = tpu.memref_slice %arg5[%dma_wait3A_273, %dma_wait3A_274] : memref<524288x128xf32, #tpu.memory_space<hbm>> -> memref<128x128xf32, #tpu.memory_space<hbm>>
      %dma_wait3A_276 = arith.constant 0 : i32
      %dma_wait3A_277 = arith.constant 0 : i32
      %dma_wait3A_278 = tpu.memref_slice %arg5[%dma_wait3A_276, %dma_wait3A_277] : memref<524288x128xf32, #tpu.memory_space<hbm>> -> memref<128x128xf32, #tpu.memory_space<hbm>>
      tpu.wait_dma2 semaphore(%arg19 : memref<!tpu.dma_semaphore, #tpu.memory_space<semaphore_mem>>) src(%dma_wait3A_278 : memref<128x128xf32, #tpu.memory_space<hbm>>) dst(%arg11 : memref<128x128xf32, #tpu.memory_space<vmem>>)
      %sub3A = arith.constant 1 : i32
      %sub3A_279 = arith.subi %add3A_242, %sub3A : i32
      %add3A_280 = arith.constant 4 : i32
      %add3A_281 = arith.addi %sub3A_279, %add3A_280 : i32
      %mul3A_282 = arith.constant 128 : i32
      %mul3A_283 = arith.muli %add3A_281, %mul3A_282 : i32
      %dma_start3A_284 = tpu.memref_slice %arg6[%mul3A_283] : memref<16384xi32, #tpu.memory_space<vmem>> -> memref<128xi32, #tpu.memory_space<vmem>>
      %dma_start3A_285 = arith.constant 0 : i32
      %dma_start3A_286 = arith.constant 0 : i32
      %dma_start3A_287 = tpu.memref_slice %arg3[%dma_start3A_285, %dma_start3A_286] : memref<1000000x128xf32, #tpu.memory_space<hbm>> -> memref<1000000x128xf32, #tpu.memory_space<hbm>>
      tpu.enqueue_indirect_dma source(%dma_start3A_287 : memref<1000000x128xf32, #tpu.memory_space<hbm>>) target(%arg11 : memref<128x128xf32, #tpu.memory_space<vmem>>) offsets(%dma_start3A_284 : memref<128xi32, #tpu.memory_space<vmem>>) semaphore(%arg15 : memref<!tpu.dma_semaphore, #tpu.memory_space<semaphore_mem>>)
      %add3A_288 = arith.constant 1 : i32
      %add3A_289 = arith.addi %mul3A_240, %add3A_288 : i32
      %dma_wait3A_290 = arith.constant 0 : i32
      %dma_wait3A_291 = arith.constant 0 : i32
      %dma_wait3A_292 = tpu.memref_slice %arg3[%dma_wait3A_290, %dma_wait3A_291] : memref<1000000x128xf32, #tpu.memory_space<hbm>> -> memref<128x128xf32, #tpu.memory_space<hbm>>
      %dma_wait3A_293 = arith.constant 0 : i32
      %dma_wait3A_294 = arith.constant 0 : i32
      %dma_wait3A_295 = tpu.memref_slice %arg3[%dma_wait3A_293, %dma_wait3A_294] : memref<1000000x128xf32, #tpu.memory_space<hbm>> -> memref<128x128xf32, #tpu.memory_space<hbm>>
      tpu.wait_dma2 semaphore(%arg13 : memref<!tpu.dma_semaphore, #tpu.memory_space<semaphore_mem>>) src(%dma_wait3A_295 : memref<128x128xf32, #tpu.memory_space<hbm>>) dst(%arg9 : memref<128x128xf32, #tpu.memory_space<vmem>>)
      %mul3A_296 = arith.constant 128 : i32
      %mul3A_297 = arith.muli %add3A_289, %mul3A_296 : i32
      %jit3A_298 = arith.constant 512 : i32
      %eq3A_299 = arith.constant 0 : i32
      %eq3A_300 = arith.cmpi eq, %jit3A_298, %eq3A_299 : i32
      %jit3A_301 = arith.constant 1 : i32
      %select_n3A_302 = arith.select %eq3A_300, %jit3A_301, %jit3A_298 : i32
      %rem3A_303 = arith.remsi %mul3A_297, %select_n3A_302 : i32
      %ne3A_304 = arith.constant 0 : i32
      %ne3A_305 = arith.cmpi ne, %rem3A_303, %ne3A_304 : i32
      %lt3A_306 = arith.constant 0 : i32
      %lt3A_307 = arith.cmpi slt, %rem3A_303, %lt3A_306 : i32
      %lt3A_308 = arith.constant 0 : i32
      %lt3A_309 = arith.cmpi slt, %select_n3A_302, %lt3A_308 : i32
      %ne3A_310 = arith.xori %lt3A_307, %lt3A_309 : i1
      %and3A_311 = arith.andi %ne3A_310, %ne3A_305 : i1
      %add3A_312 = arith.addi %rem3A_303, %select_n3A_302 : i32
      %select_n3A_313 = arith.select %and3A_311, %add3A_312, %rem3A_303 : i32
      %scan3A_314 = arith.constant 0 : i32
      %scan3A_315 = arith.constant 0 : i32
      %scan3A_316 = arith.constant 128 : i32
      %scan3A_317 = arith.addi %scan3A_315, %scan3A_316 : i32
      %scan3A_318 = arith.constant 1 : i32
      scf.for %scan3A_453 = %scan3A_315 to %scan3A_317 step %scan3A_318  : i32 {
        %add3A_454 = arith.addi %select_n3A_313, %scan3A_453 : i32
        %jit3A_455 = arith.constant 2 : i32
        %div3A = arith.divsi %add3A_454, %jit3A_455 : i32
        %sign3A = arith.constant 0 : i32
        %sign3A_456 = arith.cmpi sgt, %add3A_454, %sign3A : i32
        %sign3A_457 = arith.extui %sign3A_456 : i1 to i32
        %sign3A_458 = arith.constant 0 : i32
        %sign3A_459 = arith.cmpi slt, %add3A_454, %sign3A_458 : i32
        %sign3A_460 = arith.extui %sign3A_459 : i1 to i32
        %sign3A_461 = arith.subi %sign3A_457, %sign3A_460 : i32
        %sign3A_462 = arith.constant 0 : i32
        %sign3A_463 = arith.cmpi sgt, %jit3A_455, %sign3A_462 : i32
        %sign3A_464 = arith.extui %sign3A_463 : i1 to i32
        %sign3A_465 = arith.constant 0 : i32
        %sign3A_466 = arith.cmpi slt, %jit3A_455, %sign3A_465 : i32
        %sign3A_467 = arith.extui %sign3A_466 : i1 to i32
        %sign3A_468 = arith.subi %sign3A_464, %sign3A_467 : i32
        %ne3A_469 = arith.cmpi ne, %sign3A_461, %sign3A_468 : i32
        %rem3A_470 = arith.remsi %add3A_454, %jit3A_455 : i32
        %ne3A_471 = arith.constant 0 : i32
        %ne3A_472 = arith.cmpi ne, %rem3A_470, %ne3A_471 : i32
        %and3A_473 = arith.andi %ne3A_469, %ne3A_472 : i1
        %sub3A_474 = arith.constant 1 : i32
        %sub3A_475 = arith.subi %div3A, %sub3A_474 : i32
        %select_n3A_476 = arith.select %and3A_473, %sub3A_475, %div3A : i32
        %jit3A_477 = arith.constant 2 : i32
        %eq3A_478 = arith.constant 0 : i32
        %eq3A_479 = arith.cmpi eq, %jit3A_477, %eq3A_478 : i32
        %jit3A_480 = arith.constant 1 : i32
        %select_n3A_481 = arith.select %eq3A_479, %jit3A_480, %jit3A_477 : i32
        %rem3A_482 = arith.remsi %add3A_454, %select_n3A_481 : i32
        %ne3A_483 = arith.constant 0 : i32
        %ne3A_484 = arith.cmpi ne, %rem3A_482, %ne3A_483 : i32
        %lt3A_485 = arith.constant 0 : i32
        %lt3A_486 = arith.cmpi slt, %rem3A_482, %lt3A_485 : i32
        %lt3A_487 = arith.constant 0 : i32
        %lt3A_488 = arith.cmpi slt, %select_n3A_481, %lt3A_487 : i32
        %ne3A_489 = arith.xori %lt3A_486, %lt3A_488 : i1
        %and3A_490 = arith.andi %ne3A_489, %ne3A_484 : i1
        %add3A_491 = arith.addi %rem3A_482, %select_n3A_481 : i32
        %select_n3A_492 = arith.select %and3A_490, %add3A_491, %rem3A_482 : i32
        %mul3A_493 = arith.constant 64 : i32
        %mul3A_494 = arith.muli %select_n3A_492, %mul3A_493 : i32
        %add3A_495 = arith.constant 0 : i32
        %add3A_496 = arith.addi %mul3A_494, %add3A_495 : i32
        %get3A = arith.index_cast %select_n3A_476 : i32 to index
        %get3A_497 = arith.index_cast %add3A_496 : i32 to index
        %get3A_498 = tpu.vector_load %arg7[%get3A, %get3A_497] {strides = array<i32>} : memref<256x128xf32, #tpu.memory_space<vmem>>, vector<16xf32>,
        %swap3A = arith.index_cast %scan3A_453 : i32 to index
        %swap3A_499 = arith.constant 0 : index
        %swap3A_500 = tpu.vector_load %arg9[%swap3A, %swap3A_499] {strides = array<i32>} : memref<128x128xf32, #tpu.memory_space<vmem>>, vector<16xf32>,
        tpu.vector_store %arg9[%swap3A, %swap3A_499], %get3A_498 {add = true, strides = array<i32>} : memref<128x128xf32, #tpu.memory_space<vmem>>, vector<16xf32>,
        %add3A_501 = arith.constant 16 : i32
        %add3A_502 = arith.addi %mul3A_494, %add3A_501 : i32
        %get3A_503 = arith.index_cast %select_n3A_476 : i32 to index
        %get3A_504 = arith.index_cast %add3A_502 : i32 to index
        %get3A_505 = tpu.vector_load %arg7[%get3A_503, %get3A_504] {strides = array<i32>} : memref<256x128xf32, #tpu.memory_space<vmem>>, vector<16xf32>,
        %swap3A_506 = arith.index_cast %scan3A_453 : i32 to index
        %swap3A_507 = arith.constant 16 : index
        %swap3A_508 = tpu.vector_load %arg9[%swap3A_506, %swap3A_507] {strides = array<i32>} : memref<128x128xf32, #tpu.memory_space<vmem>>, vector<16xf32>,
        tpu.vector_store %arg9[%swap3A_506, %swap3A_507], %get3A_505 {add = true, strides = array<i32>} : memref<128x128xf32, #tpu.memory_space<vmem>>, vector<16xf32>,
        %add3A_509 = arith.constant 32 : i32
        %add3A_510 = arith.addi %mul3A_494, %add3A_509 : i32
        %get3A_511 = arith.index_cast %select_n3A_476 : i32 to index
        %get3A_512 = arith.index_cast %add3A_510 : i32 to index
        %get3A_513 = tpu.vector_load %arg7[%get3A_511, %get3A_512] {strides = array<i32>} : memref<256x128xf32, #tpu.memory_space<vmem>>, vector<16xf32>,
        %swap3A_514 = arith.index_cast %scan3A_453 : i32 to index
        %swap3A_515 = arith.constant 32 : index
        %swap3A_516 = tpu.vector_load %arg9[%swap3A_514, %swap3A_515] {strides = array<i32>} : memref<128x128xf32, #tpu.memory_space<vmem>>, vector<16xf32>,
        tpu.vector_store %arg9[%swap3A_514, %swap3A_515], %get3A_513 {add = true, strides = array<i32>} : memref<128x128xf32, #tpu.memory_space<vmem>>, vector<16xf32>,
        %add3A_517 = arith.constant 48 : i32
        %add3A_518 = arith.addi %mul3A_494, %add3A_517 : i32
        %get3A_519 = arith.index_cast %select_n3A_476 : i32 to index
        %get3A_520 = arith.index_cast %add3A_518 : i32 to index
        %get3A_521 = tpu.vector_load %arg7[%get3A_519, %get3A_520] {strides = array<i32>} : memref<256x128xf32, #tpu.memory_space<vmem>>, vector<16xf32>,
        %swap3A_522 = arith.index_cast %scan3A_453 : i32 to index
        %swap3A_523 = arith.constant 48 : index
        %swap3A_524 = tpu.vector_load %arg9[%swap3A_522, %swap3A_523] {strides = array<i32>} : memref<128x128xf32, #tpu.memory_space<vmem>>, vector<16xf32>,
        tpu.vector_store %arg9[%swap3A_522, %swap3A_523], %get3A_521 {add = true, strides = array<i32>} : memref<128x128xf32, #tpu.memory_space<vmem>>, vector<16xf32>,
      }
      %scan3A_319 = arith.constant 128 : i32
      %mul3A_320 = arith.constant 128 : i32
      %mul3A_321 = arith.muli %add3A_289, %mul3A_320 : i32
      %add3A_322 = arith.addi %mul3A_2, %mul3A_321 : i32
      %dma_start3A_323 = arith.constant 0 : i32
      %dma_start3A_324 = tpu.memref_slice %arg5[%add3A_322, %dma_start3A_323] : memref<524288x128xf32, #tpu.memory_space<hbm>> -> memref<128x128xf32, #tpu.memory_space<hbm>>
      %dma_start3A_325 = arith.constant 0 : i32
      %dma_start3A_326 = tpu.memref_slice %arg5[%add3A_322, %dma_start3A_325] : memref<524288x128xf32, #tpu.memory_space<hbm>> -> memref<128x128xf32, #tpu.memory_space<hbm>>
      tpu.enqueue_dma source(%arg9 : memref<128x128xf32, #tpu.memory_space<vmem>>) target(%dma_start3A_326 : memref<128x128xf32, #tpu.memory_space<hbm>>) target_semaphore(%arg17 : memref<!tpu.dma_semaphore, #tpu.memory_space<semaphore_mem>>)
      %dma_wait3A_327 = arith.constant 0 : i32
      %dma_wait3A_328 = arith.constant 0 : i32
      %dma_wait3A_329 = tpu.memref_slice %arg5[%dma_wait3A_327, %dma_wait3A_328] : memref<524288x128xf32, #tpu.memory_space<hbm>> -> memref<128x128xf32, #tpu.memory_space<hbm>>
      %dma_wait3A_330 = arith.constant 0 : i32
      %dma_wait3A_331 = arith.constant 0 : i32
      %dma_wait3A_332 = tpu.memref_slice %arg5[%dma_wait3A_330, %dma_wait3A_331] : memref<524288x128xf32, #tpu.memory_space<hbm>> -> memref<128x128xf32, #tpu.memory_space<hbm>>
      tpu.wait_dma2 semaphore(%arg16 : memref<!tpu.dma_semaphore, #tpu.memory_space<semaphore_mem>>) src(%dma_wait3A_332 : memref<128x128xf32, #tpu.memory_space<hbm>>) dst(%arg8 : memref<128x128xf32, #tpu.memory_space<vmem>>)
      %sub3A_333 = arith.constant 1 : i32
      %sub3A_334 = arith.subi %add3A_289, %sub3A_333 : i32
      %add3A_335 = arith.constant 4 : i32
      %add3A_336 = arith.addi %sub3A_334, %add3A_335 : i32
      %mul3A_337 = arith.constant 128 : i32
      %mul3A_338 = arith.muli %add3A_336, %mul3A_337 : i32
      %dma_start3A_339 = tpu.memref_slice %arg6[%mul3A_338] : memref<16384xi32, #tpu.memory_space<vmem>> -> memref<128xi32, #tpu.memory_space<vmem>>
      %dma_start3A_340 = arith.constant 0 : i32
      %dma_start3A_341 = arith.constant 0 : i32
      %dma_start3A_342 = tpu.memref_slice %arg3[%dma_start3A_340, %dma_start3A_341] : memref<1000000x128xf32, #tpu.memory_space<hbm>> -> memref<1000000x128xf32, #tpu.memory_space<hbm>>
      tpu.enqueue_indirect_dma source(%dma_start3A_342 : memref<1000000x128xf32, #tpu.memory_space<hbm>>) target(%arg8 : memref<128x128xf32, #tpu.memory_space<vmem>>) offsets(%dma_start3A_339 : memref<128xi32, #tpu.memory_space<vmem>>) semaphore(%arg12 : memref<!tpu.dma_semaphore, #tpu.memory_space<semaphore_mem>>)
      %add3A_343 = arith.constant 2 : i32
      %add3A_344 = arith.addi %mul3A_240, %add3A_343 : i32
      %dma_wait3A_345 = arith.constant 0 : i32
      %dma_wait3A_346 = arith.constant 0 : i32
      %dma_wait3A_347 = tpu.memref_slice %arg3[%dma_wait3A_345, %dma_wait3A_346] : memref<1000000x128xf32, #tpu.memory_space<hbm>> -> memref<128x128xf32, #tpu.memory_space<hbm>>
      %dma_wait3A_348 = arith.constant 0 : i32
      %dma_wait3A_349 = arith.constant 0 : i32
      %dma_wait3A_350 = tpu.memref_slice %arg3[%dma_wait3A_348, %dma_wait3A_349] : memref<1000000x128xf32, #tpu.memory_space<hbm>> -> memref<128x128xf32, #tpu.memory_space<hbm>>
      tpu.wait_dma2 semaphore(%arg14 : memref<!tpu.dma_semaphore, #tpu.memory_space<semaphore_mem>>) src(%dma_wait3A_350 : memref<128x128xf32, #tpu.memory_space<hbm>>) dst(%arg10 : memref<128x128xf32, #tpu.memory_space<vmem>>)
      %mul3A_351 = arith.constant 128 : i32
      %mul3A_352 = arith.muli %add3A_344, %mul3A_351 : i32
      %jit3A_353 = arith.constant 512 : i32
      %eq3A_354 = arith.constant 0 : i32
      %eq3A_355 = arith.cmpi eq, %jit3A_353, %eq3A_354 : i32
      %jit3A_356 = arith.constant 1 : i32
      %select_n3A_357 = arith.select %eq3A_355, %jit3A_356, %jit3A_353 : i32
      %rem3A_358 = arith.remsi %mul3A_352, %select_n3A_357 : i32
      %ne3A_359 = arith.constant 0 : i32
      %ne3A_360 = arith.cmpi ne, %rem3A_358, %ne3A_359 : i32
      %lt3A_361 = arith.constant 0 : i32
      %lt3A_362 = arith.cmpi slt, %rem3A_358, %lt3A_361 : i32
      %lt3A_363 = arith.constant 0 : i32
      %lt3A_364 = arith.cmpi slt, %select_n3A_357, %lt3A_363 : i32
      %ne3A_365 = arith.xori %lt3A_362, %lt3A_364 : i1
      %and3A_366 = arith.andi %ne3A_365, %ne3A_360 : i1
      %add3A_367 = arith.addi %rem3A_358, %select_n3A_357 : i32
      %select_n3A_368 = arith.select %and3A_366, %add3A_367, %rem3A_358 : i32
      %scan3A_369 = arith.constant 0 : i32
      %scan3A_370 = arith.constant 0 : i32
      %scan3A_371 = arith.constant 128 : i32
      %scan3A_372 = arith.addi %scan3A_370, %scan3A_371 : i32
      %scan3A_373 = arith.constant 1 : i32
      scf.for %scan3A_453 = %scan3A_370 to %scan3A_372 step %scan3A_373  : i32 {
        %add3A_454 = arith.addi %select_n3A_368, %scan3A_453 : i32
        %jit3A_455 = arith.constant 2 : i32
        %div3A = arith.divsi %add3A_454, %jit3A_455 : i32
        %sign3A = arith.constant 0 : i32
        %sign3A_456 = arith.cmpi sgt, %add3A_454, %sign3A : i32
        %sign3A_457 = arith.extui %sign3A_456 : i1 to i32
        %sign3A_458 = arith.constant 0 : i32
        %sign3A_459 = arith.cmpi slt, %add3A_454, %sign3A_458 : i32
        %sign3A_460 = arith.extui %sign3A_459 : i1 to i32
        %sign3A_461 = arith.subi %sign3A_457, %sign3A_460 : i32
        %sign3A_462 = arith.constant 0 : i32
        %sign3A_463 = arith.cmpi sgt, %jit3A_455, %sign3A_462 : i32
        %sign3A_464 = arith.extui %sign3A_463 : i1 to i32
        %sign3A_465 = arith.constant 0 : i32
        %sign3A_466 = arith.cmpi slt, %jit3A_455, %sign3A_465 : i32
        %sign3A_467 = arith.extui %sign3A_466 : i1 to i32
        %sign3A_468 = arith.subi %sign3A_464, %sign3A_467 : i32
        %ne3A_469 = arith.cmpi ne, %sign3A_461, %sign3A_468 : i32
        %rem3A_470 = arith.remsi %add3A_454, %jit3A_455 : i32
        %ne3A_471 = arith.constant 0 : i32
        %ne3A_472 = arith.cmpi ne, %rem3A_470, %ne3A_471 : i32
        %and3A_473 = arith.andi %ne3A_469, %ne3A_472 : i1
        %sub3A_474 = arith.constant 1 : i32
        %sub3A_475 = arith.subi %div3A, %sub3A_474 : i32
        %select_n3A_476 = arith.select %and3A_473, %sub3A_475, %div3A : i32
        %jit3A_477 = arith.constant 2 : i32
        %eq3A_478 = arith.constant 0 : i32
        %eq3A_479 = arith.cmpi eq, %jit3A_477, %eq3A_478 : i32
        %jit3A_480 = arith.constant 1 : i32
        %select_n3A_481 = arith.select %eq3A_479, %jit3A_480, %jit3A_477 : i32
        %rem3A_482 = arith.remsi %add3A_454, %select_n3A_481 : i32
        %ne3A_483 = arith.constant 0 : i32
        %ne3A_484 = arith.cmpi ne, %rem3A_482, %ne3A_483 : i32
        %lt3A_485 = arith.constant 0 : i32
        %lt3A_486 = arith.cmpi slt, %rem3A_482, %lt3A_485 : i32
        %lt3A_487 = arith.constant 0 : i32
        %lt3A_488 = arith.cmpi slt, %select_n3A_481, %lt3A_487 : i32
        %ne3A_489 = arith.xori %lt3A_486, %lt3A_488 : i1
        %and3A_490 = arith.andi %ne3A_489, %ne3A_484 : i1
        %add3A_491 = arith.addi %rem3A_482, %select_n3A_481 : i32
        %select_n3A_492 = arith.select %and3A_490, %add3A_491, %rem3A_482 : i32
        %mul3A_493 = arith.constant 64 : i32
        %mul3A_494 = arith.muli %select_n3A_492, %mul3A_493 : i32
        %add3A_495 = arith.constant 0 : i32
        %add3A_496 = arith.addi %mul3A_494, %add3A_495 : i32
        %get3A = arith.index_cast %select_n3A_476 : i32 to index
        %get3A_497 = arith.index_cast %add3A_496 : i32 to index
        %get3A_498 = tpu.vector_load %arg7[%get3A, %get3A_497] {strides = array<i32>} : memref<256x128xf32, #tpu.memory_space<vmem>>, vector<16xf32>,
        %swap3A = arith.index_cast %scan3A_453 : i32 to index
        %swap3A_499 = arith.constant 0 : index
        %swap3A_500 = tpu.vector_load %arg10[%swap3A, %swap3A_499] {strides = array<i32>} : memref<128x128xf32, #tpu.memory_space<vmem>>, vector<16xf32>,
        tpu.vector_store %arg10[%swap3A, %swap3A_499], %get3A_498 {add = true, strides = array<i32>} : memref<128x128xf32, #tpu.memory_space<vmem>>, vector<16xf32>,
        %add3A_501 = arith.constant 16 : i32
        %add3A_502 = arith.addi %mul3A_494, %add3A_501 : i32
        %get3A_503 = arith.index_cast %select_n3A_476 : i32 to index
        %get3A_504 = arith.index_cast %add3A_502 : i32 to index
        %get3A_505 = tpu.vector_load %arg7[%get3A_503, %get3A_504] {strides = array<i32>} : memref<256x128xf32, #tpu.memory_space<vmem>>, vector<16xf32>,
        %swap3A_506 = arith.index_cast %scan3A_453 : i32 to index
        %swap3A_507 = arith.constant 16 : index
        %swap3A_508 = tpu.vector_load %arg10[%swap3A_506, %swap3A_507] {strides = array<i32>} : memref<128x128xf32, #tpu.memory_space<vmem>>, vector<16xf32>,
        tpu.vector_store %arg10[%swap3A_506, %swap3A_507], %get3A_505 {add = true, strides = array<i32>} : memref<128x128xf32, #tpu.memory_space<vmem>>, vector<16xf32>,
        %add3A_509 = arith.constant 32 : i32
        %add3A_510 = arith.addi %mul3A_494, %add3A_509 : i32
        %get3A_511 = arith.index_cast %select_n3A_476 : i32 to index
        %get3A_512 = arith.index_cast %add3A_510 : i32 to index
        %get3A_513 = tpu.vector_load %arg7[%get3A_511, %get3A_512] {strides = array<i32>} : memref<256x128xf32, #tpu.memory_space<vmem>>, vector<16xf32>,
        %swap3A_514 = arith.index_cast %scan3A_453 : i32 to index
        %swap3A_515 = arith.constant 32 : index
        %swap3A_516 = tpu.vector_load %arg10[%swap3A_514, %swap3A_515] {strides = array<i32>} : memref<128x128xf32, #tpu.memory_space<vmem>>, vector<16xf32>,
        tpu.vector_store %arg10[%swap3A_514, %swap3A_515], %get3A_513 {add = true, strides = array<i32>} : memref<128x128xf32, #tpu.memory_space<vmem>>, vector<16xf32>,
        %add3A_517 = arith.constant 48 : i32
        %add3A_518 = arith.addi %mul3A_494, %add3A_517 : i32
        %get3A_519 = arith.index_cast %select_n3A_476 : i32 to index
        %get3A_520 = arith.index_cast %add3A_518 : i32 to index
        %get3A_521 = tpu.vector_load %arg7[%get3A_519, %get3A_520] {strides = array<i32>} : memref<256x128xf32, #tpu.memory_space<vmem>>, vector<16xf32>,
        %swap3A_522 = arith.index_cast %scan3A_453 : i32 to index
        %swap3A_523 = arith.constant 48 : index
        %swap3A_524 = tpu.vector_load %arg10[%swap3A_522, %swap3A_523] {strides = array<i32>} : memref<128x128xf32, #tpu.memory_space<vmem>>, vector<16xf32>,
        tpu.vector_store %arg10[%swap3A_522, %swap3A_523], %get3A_521 {add = true, strides = array<i32>} : memref<128x128xf32, #tpu.memory_space<vmem>>, vector<16xf32>,
      }
      %scan3A_374 = arith.constant 128 : i32
      %mul3A_375 = arith.constant 128 : i32
      %mul3A_376 = arith.muli %add3A_344, %mul3A_375 : i32
      %add3A_377 = arith.addi %mul3A_2, %mul3A_376 : i32
      %dma_start3A_378 = arith.constant 0 : i32
      %dma_start3A_379 = tpu.memref_slice %arg5[%add3A_377, %dma_start3A_378] : memref<524288x128xf32, #tpu.memory_space<hbm>> -> memref<128x128xf32, #tpu.memory_space<hbm>>
      %dma_start3A_380 = arith.constant 0 : i32
      %dma_start3A_381 = tpu.memref_slice %arg5[%add3A_377, %dma_start3A_380] : memref<524288x128xf32, #tpu.memory_space<hbm>> -> memref<128x128xf32, #tpu.memory_space<hbm>>
      tpu.enqueue_dma source(%arg10 : memref<128x128xf32, #tpu.memory_space<vmem>>) target(%dma_start3A_381 : memref<128x128xf32, #tpu.memory_space<hbm>>) target_semaphore(%arg18 : memref<!tpu.dma_semaphore, #tpu.memory_space<semaphore_mem>>)
      %dma_wait3A_382 = arith.constant 0 : i32
      %dma_wait3A_383 = arith.constant 0 : i32
      %dma_wait3A_384 = tpu.memref_slice %arg5[%dma_wait3A_382, %dma_wait3A_383] : memref<524288x128xf32, #tpu.memory_space<hbm>> -> memref<128x128xf32, #tpu.memory_space<hbm>>
      %dma_wait3A_385 = arith.constant 0 : i32
      %dma_wait3A_386 = arith.constant 0 : i32
      %dma_wait3A_387 = tpu.memref_slice %arg5[%dma_wait3A_385, %dma_wait3A_386] : memref<524288x128xf32, #tpu.memory_space<hbm>> -> memref<128x128xf32, #tpu.memory_space<hbm>>
      tpu.wait_dma2 semaphore(%arg17 : memref<!tpu.dma_semaphore, #tpu.memory_space<semaphore_mem>>) src(%dma_wait3A_387 : memref<128x128xf32, #tpu.memory_space<hbm>>) dst(%arg9 : memref<128x128xf32, #tpu.memory_space<vmem>>)
      %sub3A_388 = arith.constant 1 : i32
      %sub3A_389 = arith.subi %add3A_344, %sub3A_388 : i32
      %add3A_390 = arith.constant 4 : i32
      %add3A_391 = arith.addi %sub3A_389, %add3A_390 : i32
      %mul3A_392 = arith.constant 128 : i32
      %mul3A_393 = arith.muli %add3A_391, %mul3A_392 : i32
      %dma_start3A_394 = tpu.memref_slice %arg6[%mul3A_393] : memref<16384xi32, #tpu.memory_space<vmem>> -> memref<128xi32, #tpu.memory_space<vmem>>
      %dma_start3A_395 = arith.constant 0 : i32
      %dma_start3A_396 = arith.constant 0 : i32
      %dma_start3A_397 = tpu.memref_slice %arg3[%dma_start3A_395, %dma_start3A_396] : memref<1000000x128xf32, #tpu.memory_space<hbm>> -> memref<1000000x128xf32, #tpu.memory_space<hbm>>
      tpu.enqueue_indirect_dma source(%dma_start3A_397 : memref<1000000x128xf32, #tpu.memory_space<hbm>>) target(%arg9 : memref<128x128xf32, #tpu.memory_space<vmem>>) offsets(%dma_start3A_394 : memref<128xi32, #tpu.memory_space<vmem>>) semaphore(%arg13 : memref<!tpu.dma_semaphore, #tpu.memory_space<semaphore_mem>>)
      %add3A_398 = arith.constant 3 : i32
      %add3A_399 = arith.addi %mul3A_240, %add3A_398 : i32
      %dma_wait3A_400 = arith.constant 0 : i32
      %dma_wait3A_401 = arith.constant 0 : i32
      %dma_wait3A_402 = tpu.memref_slice %arg3[%dma_wait3A_400, %dma_wait3A_401] : memref<1000000x128xf32, #tpu.memory_space<hbm>> -> memref<128x128xf32, #tpu.memory_space<hbm>>
      %dma_wait3A_403 = arith.constant 0 : i32
      %dma_wait3A_404 = arith.constant 0 : i32
      %dma_wait3A_405 = tpu.memref_slice %arg3[%dma_wait3A_403, %dma_wait3A_404] : memref<1000000x128xf32, #tpu.memory_space<hbm>> -> memref<128x128xf32, #tpu.memory_space<hbm>>
      tpu.wait_dma2 semaphore(%arg15 : memref<!tpu.dma_semaphore, #tpu.memory_space<semaphore_mem>>) src(%dma_wait3A_405 : memref<128x128xf32, #tpu.memory_space<hbm>>) dst(%arg11 : memref<128x128xf32, #tpu.memory_space<vmem>>)
      %mul3A_406 = arith.constant 128 : i32
      %mul3A_407 = arith.muli %add3A_399, %mul3A_406 : i32
      %jit3A_408 = arith.constant 512 : i32
      %eq3A_409 = arith.constant 0 : i32
      %eq3A_410 = arith.cmpi eq, %jit3A_408, %eq3A_409 : i32
      %jit3A_411 = arith.constant 1 : i32
      %select_n3A_412 = arith.select %eq3A_410, %jit3A_411, %jit3A_408 : i32
      %rem3A_413 = arith.remsi %mul3A_407, %select_n3A_412 : i32
      %ne3A_414 = arith.constant 0 : i32
      %ne3A_415 = arith.cmpi ne, %rem3A_413, %ne3A_414 : i32
      %lt3A_416 = arith.constant 0 : i32
      %lt3A_417 = arith.cmpi slt, %rem3A_413, %lt3A_416 : i32
      %lt3A_418 = arith.constant 0 : i32
      %lt3A_419 = arith.cmpi slt, %select_n3A_412, %lt3A_418 : i32
      %ne3A_420 = arith.xori %lt3A_417, %lt3A_419 : i1
      %and3A_421 = arith.andi %ne3A_420, %ne3A_415 : i1
      %add3A_422 = arith.addi %rem3A_413, %select_n3A_412 : i32
      %select_n3A_423 = arith.select %and3A_421, %add3A_422, %rem3A_413 : i32
      %scan3A_424 = arith.constant 0 : i32
      %scan3A_425 = arith.constant 0 : i32
      %scan3A_426 = arith.constant 128 : i32
      %scan3A_427 = arith.addi %scan3A_425, %scan3A_426 : i32
      %scan3A_428 = arith.constant 1 : i32
      scf.for %scan3A_453 = %scan3A_425 to %scan3A_427 step %scan3A_428  : i32 {
        %add3A_454 = arith.addi %select_n3A_423, %scan3A_453 : i32
        %jit3A_455 = arith.constant 2 : i32
        %div3A = arith.divsi %add3A_454, %jit3A_455 : i32
        %sign3A = arith.constant 0 : i32
        %sign3A_456 = arith.cmpi sgt, %add3A_454, %sign3A : i32
        %sign3A_457 = arith.extui %sign3A_456 : i1 to i32
        %sign3A_458 = arith.constant 0 : i32
        %sign3A_459 = arith.cmpi slt, %add3A_454, %sign3A_458 : i32
        %sign3A_460 = arith.extui %sign3A_459 : i1 to i32
        %sign3A_461 = arith.subi %sign3A_457, %sign3A_460 : i32
        %sign3A_462 = arith.constant 0 : i32
        %sign3A_463 = arith.cmpi sgt, %jit3A_455, %sign3A_462 : i32
        %sign3A_464 = arith.extui %sign3A_463 : i1 to i32
        %sign3A_465 = arith.constant 0 : i32
        %sign3A_466 = arith.cmpi slt, %jit3A_455, %sign3A_465 : i32
        %sign3A_467 = arith.extui %sign3A_466 : i1 to i32
        %sign3A_468 = arith.subi %sign3A_464, %sign3A_467 : i32
        %ne3A_469 = arith.cmpi ne, %sign3A_461, %sign3A_468 : i32
        %rem3A_470 = arith.remsi %add3A_454, %jit3A_455 : i32
        %ne3A_471 = arith.constant 0 : i32
        %ne3A_472 = arith.cmpi ne, %rem3A_470, %ne3A_471 : i32
        %and3A_473 = arith.andi %ne3A_469, %ne3A_472 : i1
        %sub3A_474 = arith.constant 1 : i32
        %sub3A_475 = arith.subi %div3A, %sub3A_474 : i32
        %select_n3A_476 = arith.select %and3A_473, %sub3A_475, %div3A : i32
        %jit3A_477 = arith.constant 2 : i32
        %eq3A_478 = arith.constant 0 : i32
        %eq3A_479 = arith.cmpi eq, %jit3A_477, %eq3A_478 : i32
        %jit3A_480 = arith.constant 1 : i32
        %select_n3A_481 = arith.select %eq3A_479, %jit3A_480, %jit3A_477 : i32
        %rem3A_482 = arith.remsi %add3A_454, %select_n3A_481 : i32
        %ne3A_483 = arith.constant 0 : i32
        %ne3A_484 = arith.cmpi ne, %rem3A_482, %ne3A_483 : i32
        %lt3A_485 = arith.constant 0 : i32
        %lt3A_486 = arith.cmpi slt, %rem3A_482, %lt3A_485 : i32
        %lt3A_487 = arith.constant 0 : i32
        %lt3A_488 = arith.cmpi slt, %select_n3A_481, %lt3A_487 : i32
        %ne3A_489 = arith.xori %lt3A_486, %lt3A_488 : i1
        %and3A_490 = arith.andi %ne3A_489, %ne3A_484 : i1
        %add3A_491 = arith.addi %rem3A_482, %select_n3A_481 : i32
        %select_n3A_492 = arith.select %and3A_490, %add3A_491, %rem3A_482 : i32
        %mul3A_493 = arith.constant 64 : i32
        %mul3A_494 = arith.muli %select_n3A_492, %mul3A_493 : i32
        %add3A_495 = arith.constant 0 : i32
        %add3A_496 = arith.addi %mul3A_494, %add3A_495 : i32
        %get3A = arith.index_cast %select_n3A_476 : i32 to index
        %get3A_497 = arith.index_cast %add3A_496 : i32 to index
        %get3A_498 = tpu.vector_load %arg7[%get3A, %get3A_497] {strides = array<i32>} : memref<256x128xf32, #tpu.memory_space<vmem>>, vector<16xf32>,
        %swap3A = arith.index_cast %scan3A_453 : i32 to index
        %swap3A_499 = arith.constant 0 : index
        %swap3A_500 = tpu.vector_load %arg11[%swap3A, %swap3A_499] {strides = array<i32>} : memref<128x128xf32, #tpu.memory_space<vmem>>, vector<16xf32>,
        tpu.vector_store %arg11[%swap3A, %swap3A_499], %get3A_498 {add = true, strides = array<i32>} : memref<128x128xf32, #tpu.memory_space<vmem>>, vector<16xf32>,
        %add3A_501 = arith.constant 16 : i32
        %add3A_502 = arith.addi %mul3A_494, %add3A_501 : i32
        %get3A_503 = arith.index_cast %select_n3A_476 : i32 to index
        %get3A_504 = arith.index_cast %add3A_502 : i32 to index
        %get3A_505 = tpu.vector_load %arg7[%get3A_503, %get3A_504] {strides = array<i32>} : memref<256x128xf32, #tpu.memory_space<vmem>>, vector<16xf32>,
        %swap3A_506 = arith.index_cast %scan3A_453 : i32 to index
        %swap3A_507 = arith.constant 16 : index
        %swap3A_508 = tpu.vector_load %arg11[%swap3A_506, %swap3A_507] {strides = array<i32>} : memref<128x128xf32, #tpu.memory_space<vmem>>, vector<16xf32>,
        tpu.vector_store %arg11[%swap3A_506, %swap3A_507], %get3A_505 {add = true, strides = array<i32>} : memref<128x128xf32, #tpu.memory_space<vmem>>, vector<16xf32>,
        %add3A_509 = arith.constant 32 : i32
        %add3A_510 = arith.addi %mul3A_494, %add3A_509 : i32
        %get3A_511 = arith.index_cast %select_n3A_476 : i32 to index
        %get3A_512 = arith.index_cast %add3A_510 : i32 to index
        %get3A_513 = tpu.vector_load %arg7[%get3A_511, %get3A_512] {strides = array<i32>} : memref<256x128xf32, #tpu.memory_space<vmem>>, vector<16xf32>,
        %swap3A_514 = arith.index_cast %scan3A_453 : i32 to index
        %swap3A_515 = arith.constant 32 : index
        %swap3A_516 = tpu.vector_load %arg11[%swap3A_514, %swap3A_515] {strides = array<i32>} : memref<128x128xf32, #tpu.memory_space<vmem>>, vector<16xf32>,
        tpu.vector_store %arg11[%swap3A_514, %swap3A_515], %get3A_513 {add = true, strides = array<i32>} : memref<128x128xf32, #tpu.memory_space<vmem>>, vector<16xf32>,
        %add3A_517 = arith.constant 48 : i32
        %add3A_518 = arith.addi %mul3A_494, %add3A_517 : i32
        %get3A_519 = arith.index_cast %select_n3A_476 : i32 to index
        %get3A_520 = arith.index_cast %add3A_518 : i32 to index
        %get3A_521 = tpu.vector_load %arg7[%get3A_519, %get3A_520] {strides = array<i32>} : memref<256x128xf32, #tpu.memory_space<vmem>>, vector<16xf32>,
        %swap3A_522 = arith.index_cast %scan3A_453 : i32 to index
        %swap3A_523 = arith.constant 48 : index
        %swap3A_524 = tpu.vector_load %arg11[%swap3A_522, %swap3A_523] {strides = array<i32>} : memref<128x128xf32, #tpu.memory_space<vmem>>, vector<16xf32>,
        tpu.vector_store %arg11[%swap3A_522, %swap3A_523], %get3A_521 {add = true, strides = array<i32>} : memref<128x128xf32, #tpu.memory_space<vmem>>, vector<16xf32>,
      }
      %scan3A_429 = arith.constant 128 : i32
      %mul3A_430 = arith.constant 128 : i32
      %mul3A_431 = arith.muli %add3A_399, %mul3A_430 : i32
      %add3A_432 = arith.addi %mul3A_2, %mul3A_431 : i32
      %dma_start3A_433 = arith.constant 0 : i32
      %dma_start3A_434 = tpu.memref_slice %arg5[%add3A_432, %dma_start3A_433] : memref<524288x128xf32, #tpu.memory_space<hbm>> -> memref<128x128xf32, #tpu.memory_space<hbm>>
      %dma_start3A_435 = arith.constant 0 : i32
      %dma_start3A_436 = tpu.memref_slice %arg5[%add3A_432, %dma_start3A_435] : memref<524288x128xf32, #tpu.memory_space<hbm>> -> memref<128x128xf32, #tpu.memory_space<hbm>>
      tpu.enqueue_dma source(%arg11 : memref<128x128xf32, #tpu.memory_space<vmem>>) target(%dma_start3A_436 : memref<128x128xf32, #tpu.memory_space<hbm>>) target_semaphore(%arg19 : memref<!tpu.dma_semaphore, #tpu.memory_space<semaphore_mem>>)
      %dma_wait3A_437 = arith.constant 0 : i32
      %dma_wait3A_438 = arith.constant 0 : i32
      %dma_wait3A_439 = tpu.memref_slice %arg5[%dma_wait3A_437, %dma_wait3A_438] : memref<524288x128xf32, #tpu.memory_space<hbm>> -> memref<128x128xf32, #tpu.memory_space<hbm>>
      %dma_wait3A_440 = arith.constant 0 : i32
      %dma_wait3A_441 = arith.constant 0 : i32
      %dma_wait3A_442 = tpu.memref_slice %arg5[%dma_wait3A_440, %dma_wait3A_441] : memref<524288x128xf32, #tpu.memory_space<hbm>> -> memref<128x128xf32, #tpu.memory_space<hbm>>
      tpu.wait_dma2 semaphore(%arg18 : memref<!tpu.dma_semaphore, #tpu.memory_space<semaphore_mem>>) src(%dma_wait3A_442 : memref<128x128xf32, #tpu.memory_space<hbm>>) dst(%arg10 : memref<128x128xf32, #tpu.memory_space<vmem>>)
      %sub3A_443 = arith.constant 1 : i32
      %sub3A_444 = arith.subi %add3A_399, %sub3A_443 : i32
      %add3A_445 = arith.constant 4 : i32
      %add3A_446 = arith.addi %sub3A_444, %add3A_445 : i32
      %mul3A_447 = arith.constant 128 : i32
      %mul3A_448 = arith.muli %add3A_446, %mul3A_447 : i32
      %dma_start3A_449 = tpu.memref_slice %arg6[%mul3A_448] : memref<16384xi32, #tpu.memory_space<vmem>> -> memref<128xi32, #tpu.memory_space<vmem>>
      %dma_start3A_450 = arith.constant 0 : i32
      %dma_start3A_451 = arith.constant 0 : i32
      %dma_start3A_452 = tpu.memref_slice %arg3[%dma_start3A_450, %dma_start3A_451] : memref<1000000x128xf32, #tpu.memory_space<hbm>> -> memref<1000000x128xf32, #tpu.memory_space<hbm>>
      tpu.enqueue_indirect_dma source(%dma_start3A_452 : memref<1000000x128xf32, #tpu.memory_space<hbm>>) target(%arg10 : memref<128x128xf32, #tpu.memory_space<vmem>>) offsets(%dma_start3A_449 : memref<128xi32, #tpu.memory_space<vmem>>) semaphore(%arg14 : memref<!tpu.dma_semaphore, #tpu.memory_space<semaphore_mem>>)
    }
    %scan3A_130 = arith.constant 30 : i32
    %dma_wait3A_131 = arith.constant 0 : i32
    %dma_wait3A_132 = arith.constant 0 : i32
    %dma_wait3A_133 = tpu.memref_slice %arg3[%dma_wait3A_131, %dma_wait3A_132] : memref<1000000x128xf32, #tpu.memory_space<hbm>> -> memref<128x128xf32, #tpu.memory_space<hbm>>
    %dma_wait3A_134 = arith.constant 0 : i32
    %dma_wait3A_135 = arith.constant 0 : i32
    %dma_wait3A_136 = tpu.memref_slice %arg3[%dma_wait3A_134, %dma_wait3A_135] : memref<1000000x128xf32, #tpu.memory_space<hbm>> -> memref<128x128xf32, #tpu.memory_space<hbm>>
    tpu.wait_dma2 semaphore(%arg12 : memref<!tpu.dma_semaphore, #tpu.memory_space<semaphore_mem>>) src(%dma_wait3A_136 : memref<128x128xf32, #tpu.memory_space<hbm>>) dst(%arg8 : memref<128x128xf32, #tpu.memory_space<vmem>>)
    %scan3A_137 = arith.constant 0 : i32
    %scan3A_138 = arith.constant 0 : i32
    %scan3A_139 = arith.constant 128 : i32
    %scan3A_140 = arith.addi %scan3A_138, %scan3A_139 : i32
    %scan3A_141 = arith.constant 1 : i32
    scf.for %scan3A_238 = %scan3A_138 to %scan3A_140 step %scan3A_141  : i32 {
      %add3A_239 = arith.constant 0 : i32
      %add3A_240 = arith.addi %add3A_239, %scan3A_238 : i32
      %jit3A = arith.constant 2 : i32
      %div3A = arith.divsi %add3A_240, %jit3A : i32
      %sign3A = arith.constant 0 : i32
      %sign3A_241 = arith.cmpi sgt, %add3A_240, %sign3A : i32
      %sign3A_242 = arith.extui %sign3A_241 : i1 to i32
      %sign3A_243 = arith.constant 0 : i32
      %sign3A_244 = arith.cmpi slt, %add3A_240, %sign3A_243 : i32
      %sign3A_245 = arith.extui %sign3A_244 : i1 to i32
      %sign3A_246 = arith.subi %sign3A_242, %sign3A_245 : i32
      %sign3A_247 = arith.constant 0 : i32
      %sign3A_248 = arith.cmpi sgt, %jit3A, %sign3A_247 : i32
      %sign3A_249 = arith.extui %sign3A_248 : i1 to i32
      %sign3A_250 = arith.constant 0 : i32
      %sign3A_251 = arith.cmpi slt, %jit3A, %sign3A_250 : i32
      %sign3A_252 = arith.extui %sign3A_251 : i1 to i32
      %sign3A_253 = arith.subi %sign3A_249, %sign3A_252 : i32
      %ne3A = arith.cmpi ne, %sign3A_246, %sign3A_253 : i32
      %rem3A = arith.remsi %add3A_240, %jit3A : i32
      %ne3A_254 = arith.constant 0 : i32
      %ne3A_255 = arith.cmpi ne, %rem3A, %ne3A_254 : i32
      %and3A = arith.andi %ne3A, %ne3A_255 : i1
      %sub3A = arith.constant 1 : i32
      %sub3A_256 = arith.subi %div3A, %sub3A : i32
      %select_n3A = arith.select %and3A, %sub3A_256, %div3A : i32
      %jit3A_257 = arith.constant 2 : i32
      %eq3A = arith.constant 0 : i32
      %eq3A_258 = arith.cmpi eq, %jit3A_257, %eq3A : i32
      %jit3A_259 = arith.constant 1 : i32
      %select_n3A_260 = arith.select %eq3A_258, %jit3A_259, %jit3A_257 : i32
      %rem3A_261 = arith.remsi %add3A_240, %select_n3A_260 : i32
      %ne3A_262 = arith.constant 0 : i32
      %ne3A_263 = arith.cmpi ne, %rem3A_261, %ne3A_262 : i32
      %lt3A = arith.constant 0 : i32
      %lt3A_264 = arith.cmpi slt, %rem3A_261, %lt3A : i32
      %lt3A_265 = arith.constant 0 : i32
      %lt3A_266 = arith.cmpi slt, %select_n3A_260, %lt3A_265 : i32
      %ne3A_267 = arith.xori %lt3A_264, %lt3A_266 : i1
      %and3A_268 = arith.andi %ne3A_267, %ne3A_263 : i1
      %add3A_269 = arith.addi %rem3A_261, %select_n3A_260 : i32
      %select_n3A_270 = arith.select %and3A_268, %add3A_269, %rem3A_261 : i32
      %mul3A_271 = arith.constant 64 : i32
      %mul3A_272 = arith.muli %select_n3A_270, %mul3A_271 : i32
      %add3A_273 = arith.constant 0 : i32
      %add3A_274 = arith.addi %mul3A_272, %add3A_273 : i32
      %get3A = arith.index_cast %select_n3A : i32 to index
      %get3A_275 = arith.index_cast %add3A_274 : i32 to index
      %get3A_276 = tpu.vector_load %arg7[%get3A, %get3A_275] {strides = array<i32>} : memref<256x128xf32, #tpu.memory_space<vmem>>, vector<16xf32>,
      %swap3A = arith.index_cast %scan3A_238 : i32 to index
      %swap3A_277 = arith.constant 0 : index
      %swap3A_278 = tpu.vector_load %arg8[%swap3A, %swap3A_277] {strides = array<i32>} : memref<128x128xf32, #tpu.memory_space<vmem>>, vector<16xf32>,
      tpu.vector_store %arg8[%swap3A, %swap3A_277], %get3A_276 {add = true, strides = array<i32>} : memref<128x128xf32, #tpu.memory_space<vmem>>, vector<16xf32>,
      %add3A_279 = arith.constant 16 : i32
      %add3A_280 = arith.addi %mul3A_272, %add3A_279 : i32
      %get3A_281 = arith.index_cast %select_n3A : i32 to index
      %get3A_282 = arith.index_cast %add3A_280 : i32 to index
      %get3A_283 = tpu.vector_load %arg7[%get3A_281, %get3A_282] {strides = array<i32>} : memref<256x128xf32, #tpu.memory_space<vmem>>, vector<16xf32>,
      %swap3A_284 = arith.index_cast %scan3A_238 : i32 to index
      %swap3A_285 = arith.constant 16 : index
      %swap3A_286 = tpu.vector_load %arg8[%swap3A_284, %swap3A_285] {strides = array<i32>} : memref<128x128xf32, #tpu.memory_space<vmem>>, vector<16xf32>,
      tpu.vector_store %arg8[%swap3A_284, %swap3A_285], %get3A_283 {add = true, strides = array<i32>} : memref<128x128xf32, #tpu.memory_space<vmem>>, vector<16xf32>,
      %add3A_287 = arith.constant 32 : i32
      %add3A_288 = arith.addi %mul3A_272, %add3A_287 : i32
      %get3A_289 = arith.index_cast %select_n3A : i32 to index
      %get3A_290 = arith.index_cast %add3A_288 : i32 to index
      %get3A_291 = tpu.vector_load %arg7[%get3A_289, %get3A_290] {strides = array<i32>} : memref<256x128xf32, #tpu.memory_space<vmem>>, vector<16xf32>,
      %swap3A_292 = arith.index_cast %scan3A_238 : i32 to index
      %swap3A_293 = arith.constant 32 : index
      %swap3A_294 = tpu.vector_load %arg8[%swap3A_292, %swap3A_293] {strides = array<i32>} : memref<128x128xf32, #tpu.memory_space<vmem>>, vector<16xf32>,
      tpu.vector_store %arg8[%swap3A_292, %swap3A_293], %get3A_291 {add = true, strides = array<i32>} : memref<128x128xf32, #tpu.memory_space<vmem>>, vector<16xf32>,
      %add3A_295 = arith.constant 48 : i32
      %add3A_296 = arith.addi %mul3A_272, %add3A_295 : i32
      %get3A_297 = arith.index_cast %select_n3A : i32 to index
      %get3A_298 = arith.index_cast %add3A_296 : i32 to index
      %get3A_299 = tpu.vector_load %arg7[%get3A_297, %get3A_298] {strides = array<i32>} : memref<256x128xf32, #tpu.memory_space<vmem>>, vector<16xf32>,
      %swap3A_300 = arith.index_cast %scan3A_238 : i32 to index
      %swap3A_301 = arith.constant 48 : index
      %swap3A_302 = tpu.vector_load %arg8[%swap3A_300, %swap3A_301] {strides = array<i32>} : memref<128x128xf32, #tpu.memory_space<vmem>>, vector<16xf32>,
      tpu.vector_store %arg8[%swap3A_300, %swap3A_301], %get3A_299 {add = true, strides = array<i32>} : memref<128x128xf32, #tpu.memory_space<vmem>>, vector<16xf32>,
    }
    %scan3A_142 = arith.constant 128 : i32
    %add3A_143 = arith.constant 15872 : i32
    %add3A_144 = arith.addi %mul3A_2, %add3A_143 : i32
    %dma_start3A_145 = arith.constant 0 : i32
    %dma_start3A_146 = tpu.memref_slice %arg5[%add3A_144, %dma_start3A_145] : memref<524288x128xf32, #tpu.memory_space<hbm>> -> memref<128x128xf32, #tpu.memory_space<hbm>>
    %dma_start3A_147 = arith.constant 0 : i32
    %dma_start3A_148 = tpu.memref_slice %arg5[%add3A_144, %dma_start3A_147] : memref<524288x128xf32, #tpu.memory_space<hbm>> -> memref<128x128xf32, #tpu.memory_space<hbm>>
    tpu.enqueue_dma source(%arg8 : memref<128x128xf32, #tpu.memory_space<vmem>>) target(%dma_start3A_148 : memref<128x128xf32, #tpu.memory_space<hbm>>) target_semaphore(%arg16 : memref<!tpu.dma_semaphore, #tpu.memory_space<semaphore_mem>>)
    %dma_wait3A_149 = arith.constant 0 : i32
    %dma_wait3A_150 = arith.constant 0 : i32
    %dma_wait3A_151 = tpu.memref_slice %arg5[%dma_wait3A_149, %dma_wait3A_150] : memref<524288x128xf32, #tpu.memory_space<hbm>> -> memref<128x128xf32, #tpu.memory_space<hbm>>
    %dma_wait3A_152 = arith.constant 0 : i32
    %dma_wait3A_153 = arith.constant 0 : i32
    %dma_wait3A_154 = tpu.memref_slice %arg5[%dma_wait3A_152, %dma_wait3A_153] : memref<524288x128xf32, #tpu.memory_space<hbm>> -> memref<128x128xf32, #tpu.memory_space<hbm>>
    tpu.wait_dma2 semaphore(%arg19 : memref<!tpu.dma_semaphore, #tpu.memory_space<semaphore_mem>>) src(%dma_wait3A_154 : memref<128x128xf32, #tpu.memory_space<hbm>>) dst(%arg11 : memref<128x128xf32, #tpu.memory_space<vmem>>)
    %dma_start3A_155 = arith.constant 16256 : i32
    %dma_start3A_156 = tpu.memref_slice %arg6[%dma_start3A_155] : memref<16384xi32, #tpu.memory_space<vmem>> -> memref<128xi32, #tpu.memory_space<vmem>>
    %dma_start3A_157 = arith.constant 0 : i32
    %dma_start3A_158 = arith.constant 0 : i32
    %dma_start3A_159 = tpu.memref_slice %arg3[%dma_start3A_157, %dma_start3A_158] : memref<1000000x128xf32, #tpu.memory_space<hbm>> -> memref<1000000x128xf32, #tpu.memory_space<hbm>>
    tpu.enqueue_indirect_dma source(%dma_start3A_159 : memref<1000000x128xf32, #tpu.memory_space<hbm>>) target(%arg11 : memref<128x128xf32, #tpu.memory_space<vmem>>) offsets(%dma_start3A_156 : memref<128xi32, #tpu.memory_space<vmem>>) semaphore(%arg15 : memref<!tpu.dma_semaphore, #tpu.memory_space<semaphore_mem>>)
    %dma_wait3A_160 = arith.constant 0 : i32
    %dma_wait3A_161 = arith.constant 0 : i32
    %dma_wait3A_162 = tpu.memref_slice %arg3[%dma_wait3A_160, %dma_wait3A_161] : memref<1000000x128xf32, #tpu.memory_space<hbm>> -> memref<128x128xf32, #tpu.memory_space<hbm>>
    %dma_wait3A_163 = arith.constant 0 : i32
    %dma_wait3A_164 = arith.constant 0 : i32
    %dma_wait3A_165 = tpu.memref_slice %arg3[%dma_wait3A_163, %dma_wait3A_164] : memref<1000000x128xf32, #tpu.memory_space<hbm>> -> memref<128x128xf32, #tpu.memory_space<hbm>>
    tpu.wait_dma2 semaphore(%arg13 : memref<!tpu.dma_semaphore, #tpu.memory_space<semaphore_mem>>) src(%dma_wait3A_165 : memref<128x128xf32, #tpu.memory_space<hbm>>) dst(%arg9 : memref<128x128xf32, #tpu.memory_space<vmem>>)
    %scan3A_166 = arith.constant 0 : i32
    %scan3A_167 = arith.constant 0 : i32
    %scan3A_168 = arith.constant 128 : i32
    %scan3A_169 = arith.addi %scan3A_167, %scan3A_168 : i32
    %scan3A_170 = arith.constant 1 : i32
    scf.for %scan3A_238 = %scan3A_167 to %scan3A_169 step %scan3A_170  : i32 {
      %add3A_239 = arith.constant 128 : i32
      %add3A_240 = arith.addi %add3A_239, %scan3A_238 : i32
      %jit3A = arith.constant 2 : i32
      %div3A = arith.divsi %add3A_240, %jit3A : i32
      %sign3A = arith.constant 0 : i32
      %sign3A_241 = arith.cmpi sgt, %add3A_240, %sign3A : i32
      %sign3A_242 = arith.extui %sign3A_241 : i1 to i32
      %sign3A_243 = arith.constant 0 : i32
      %sign3A_244 = arith.cmpi slt, %add3A_240, %sign3A_243 : i32
      %sign3A_245 = arith.extui %sign3A_244 : i1 to i32
      %sign3A_246 = arith.subi %sign3A_242, %sign3A_245 : i32
      %sign3A_247 = arith.constant 0 : i32
      %sign3A_248 = arith.cmpi sgt, %jit3A, %sign3A_247 : i32
      %sign3A_249 = arith.extui %sign3A_248 : i1 to i32
      %sign3A_250 = arith.constant 0 : i32
      %sign3A_251 = arith.cmpi slt, %jit3A, %sign3A_250 : i32
      %sign3A_252 = arith.extui %sign3A_251 : i1 to i32
      %sign3A_253 = arith.subi %sign3A_249, %sign3A_252 : i32
      %ne3A = arith.cmpi ne, %sign3A_246, %sign3A_253 : i32
      %rem3A = arith.remsi %add3A_240, %jit3A : i32
      %ne3A_254 = arith.constant 0 : i32
      %ne3A_255 = arith.cmpi ne, %rem3A, %ne3A_254 : i32
      %and3A = arith.andi %ne3A, %ne3A_255 : i1
      %sub3A = arith.constant 1 : i32
      %sub3A_256 = arith.subi %div3A, %sub3A : i32
      %select_n3A = arith.select %and3A, %sub3A_256, %div3A : i32
      %jit3A_257 = arith.constant 2 : i32
      %eq3A = arith.constant 0 : i32
      %eq3A_258 = arith.cmpi eq, %jit3A_257, %eq3A : i32
      %jit3A_259 = arith.constant 1 : i32
      %select_n3A_260 = arith.select %eq3A_258, %jit3A_259, %jit3A_257 : i32
      %rem3A_261 = arith.remsi %add3A_240, %select_n3A_260 : i32
      %ne3A_262 = arith.constant 0 : i32
      %ne3A_263 = arith.cmpi ne, %rem3A_261, %ne3A_262 : i32
      %lt3A = arith.constant 0 : i32
      %lt3A_264 = arith.cmpi slt, %rem3A_261, %lt3A : i32
      %lt3A_265 = arith.constant 0 : i32
      %lt3A_266 = arith.cmpi slt, %select_n3A_260, %lt3A_265 : i32
      %ne3A_267 = arith.xori %lt3A_264, %lt3A_266 : i1
      %and3A_268 = arith.andi %ne3A_267, %ne3A_263 : i1
      %add3A_269 = arith.addi %rem3A_261, %select_n3A_260 : i32
      %select_n3A_270 = arith.select %and3A_268, %add3A_269, %rem3A_261 : i32
      %mul3A_271 = arith.constant 64 : i32
      %mul3A_272 = arith.muli %select_n3A_270, %mul3A_271 : i32
      %add3A_273 = arith.constant 0 : i32
      %add3A_274 = arith.addi %mul3A_272, %add3A_273 : i32
      %get3A = arith.index_cast %select_n3A : i32 to index
      %get3A_275 = arith.index_cast %add3A_274 : i32 to index
      %get3A_276 = tpu.vector_load %arg7[%get3A, %get3A_275] {strides = array<i32>} : memref<256x128xf32, #tpu.memory_space<vmem>>, vector<16xf32>,
      %swap3A = arith.index_cast %scan3A_238 : i32 to index
      %swap3A_277 = arith.constant 0 : index
      %swap3A_278 = tpu.vector_load %arg9[%swap3A, %swap3A_277] {strides = array<i32>} : memref<128x128xf32, #tpu.memory_space<vmem>>, vector<16xf32>,
      tpu.vector_store %arg9[%swap3A, %swap3A_277], %get3A_276 {add = true, strides = array<i32>} : memref<128x128xf32, #tpu.memory_space<vmem>>, vector<16xf32>,
      %add3A_279 = arith.constant 16 : i32
      %add3A_280 = arith.addi %mul3A_272, %add3A_279 : i32
      %get3A_281 = arith.index_cast %select_n3A : i32 to index
      %get3A_282 = arith.index_cast %add3A_280 : i32 to index
      %get3A_283 = tpu.vector_load %arg7[%get3A_281, %get3A_282] {strides = array<i32>} : memref<256x128xf32, #tpu.memory_space<vmem>>, vector<16xf32>,
      %swap3A_284 = arith.index_cast %scan3A_238 : i32 to index
      %swap3A_285 = arith.constant 16 : index
      %swap3A_286 = tpu.vector_load %arg9[%swap3A_284, %swap3A_285] {strides = array<i32>} : memref<128x128xf32, #tpu.memory_space<vmem>>, vector<16xf32>,
      tpu.vector_store %arg9[%swap3A_284, %swap3A_285], %get3A_283 {add = true, strides = array<i32>} : memref<128x128xf32, #tpu.memory_space<vmem>>, vector<16xf32>,
      %add3A_287 = arith.constant 32 : i32
      %add3A_288 = arith.addi %mul3A_272, %add3A_287 : i32
      %get3A_289 = arith.index_cast %select_n3A : i32 to index
      %get3A_290 = arith.index_cast %add3A_288 : i32 to index
      %get3A_291 = tpu.vector_load %arg7[%get3A_289, %get3A_290] {strides = array<i32>} : memref<256x128xf32, #tpu.memory_space<vmem>>, vector<16xf32>,
      %swap3A_292 = arith.index_cast %scan3A_238 : i32 to index
      %swap3A_293 = arith.constant 32 : index
      %swap3A_294 = tpu.vector_load %arg9[%swap3A_292, %swap3A_293] {strides = array<i32>} : memref<128x128xf32, #tpu.memory_space<vmem>>, vector<16xf32>,
      tpu.vector_store %arg9[%swap3A_292, %swap3A_293], %get3A_291 {add = true, strides = array<i32>} : memref<128x128xf32, #tpu.memory_space<vmem>>, vector<16xf32>,
      %add3A_295 = arith.constant 48 : i32
      %add3A_296 = arith.addi %mul3A_272, %add3A_295 : i32
      %get3A_297 = arith.index_cast %select_n3A : i32 to index
      %get3A_298 = arith.index_cast %add3A_296 : i32 to index
      %get3A_299 = tpu.vector_load %arg7[%get3A_297, %get3A_298] {strides = array<i32>} : memref<256x128xf32, #tpu.memory_space<vmem>>, vector<16xf32>,
      %swap3A_300 = arith.index_cast %scan3A_238 : i32 to index
      %swap3A_301 = arith.constant 48 : index
      %swap3A_302 = tpu.vector_load %arg9[%swap3A_300, %swap3A_301] {strides = array<i32>} : memref<128x128xf32, #tpu.memory_space<vmem>>, vector<16xf32>,
      tpu.vector_store %arg9[%swap3A_300, %swap3A_301], %get3A_299 {add = true, strides = array<i32>} : memref<128x128xf32, #tpu.memory_space<vmem>>, vector<16xf32>,
    }
    %scan3A_171 = arith.constant 128 : i32
    %add3A_172 = arith.constant 16000 : i32
    %add3A_173 = arith.addi %mul3A_2, %add3A_172 : i32
    %dma_start3A_174 = arith.constant 0 : i32
    %dma_start3A_175 = tpu.memref_slice %arg5[%add3A_173, %dma_start3A_174] : memref<524288x128xf32, #tpu.memory_space<hbm>> -> memref<128x128xf32, #tpu.memory_space<hbm>>
    %dma_start3A_176 = arith.constant 0 : i32
    %dma_start3A_177 = tpu.memref_slice %arg5[%add3A_173, %dma_start3A_176] : memref<524288x128xf32, #tpu.memory_space<hbm>> -> memref<128x128xf32, #tpu.memory_space<hbm>>
    tpu.enqueue_dma source(%arg9 : memref<128x128xf32, #tpu.memory_space<vmem>>) target(%dma_start3A_177 : memref<128x128xf32, #tpu.memory_space<hbm>>) target_semaphore(%arg17 : memref<!tpu.dma_semaphore, #tpu.memory_space<semaphore_mem>>)
    %dma_wait3A_178 = arith.constant 0 : i32
    %dma_wait3A_179 = arith.constant 0 : i32
    %dma_wait3A_180 = tpu.memref_slice %arg5[%dma_wait3A_178, %dma_wait3A_179] : memref<524288x128xf32, #tpu.memory_space<hbm>> -> memref<128x128xf32, #tpu.memory_space<hbm>>
    %dma_wait3A_181 = arith.constant 0 : i32
    %dma_wait3A_182 = arith.constant 0 : i32
    %dma_wait3A_183 = tpu.memref_slice %arg5[%dma_wait3A_181, %dma_wait3A_182] : memref<524288x128xf32, #tpu.memory_space<hbm>> -> memref<128x128xf32, #tpu.memory_space<hbm>>
    tpu.wait_dma2 semaphore(%arg16 : memref<!tpu.dma_semaphore, #tpu.memory_space<semaphore_mem>>) src(%dma_wait3A_183 : memref<128x128xf32, #tpu.memory_space<hbm>>) dst(%arg8 : memref<128x128xf32, #tpu.memory_space<vmem>>)
    %dma_wait3A_184 = arith.constant 0 : i32
    %dma_wait3A_185 = arith.constant 0 : i32
    %dma_wait3A_186 = tpu.memref_slice %arg3[%dma_wait3A_184, %dma_wait3A_185] : memref<1000000x128xf32, #tpu.memory_space<hbm>> -> memref<128x128xf32, #tpu.memory_space<hbm>>
    %dma_wait3A_187 = arith.constant 0 : i32
    %dma_wait3A_188 = arith.constant 0 : i32
    %dma_wait3A_189 = tpu.memref_slice %arg3[%dma_wait3A_187, %dma_wait3A_188] : memref<1000000x128xf32, #tpu.memory_space<hbm>> -> memref<128x128xf32, #tpu.memory_space<hbm>>
    tpu.wait_dma2 semaphore(%arg14 : memref<!tpu.dma_semaphore, #tpu.memory_space<semaphore_mem>>) src(%dma_wait3A_189 : memref<128x128xf32, #tpu.memory_space<hbm>>) dst(%arg10 : memref<128x128xf32, #tpu.memory_space<vmem>>)
    %scan3A_190 = arith.constant 0 : i32
    %scan3A_191 = arith.constant 0 : i32
    %scan3A_192 = arith.constant 128 : i32
    %scan3A_193 = arith.addi %scan3A_191, %scan3A_192 : i32
    %scan3A_194 = arith.constant 1 : i32
    scf.for %scan3A_238 = %scan3A_191 to %scan3A_193 step %scan3A_194  : i32 {
      %add3A_239 = arith.constant 256 : i32
      %add3A_240 = arith.addi %add3A_239, %scan3A_238 : i32
      %jit3A = arith.constant 2 : i32
      %div3A = arith.divsi %add3A_240, %jit3A : i32
      %sign3A = arith.constant 0 : i32
      %sign3A_241 = arith.cmpi sgt, %add3A_240, %sign3A : i32
      %sign3A_242 = arith.extui %sign3A_241 : i1 to i32
      %sign3A_243 = arith.constant 0 : i32
      %sign3A_244 = arith.cmpi slt, %add3A_240, %sign3A_243 : i32
      %sign3A_245 = arith.extui %sign3A_244 : i1 to i32
      %sign3A_246 = arith.subi %sign3A_242, %sign3A_245 : i32
      %sign3A_247 = arith.constant 0 : i32
      %sign3A_248 = arith.cmpi sgt, %jit3A, %sign3A_247 : i32
      %sign3A_249 = arith.extui %sign3A_248 : i1 to i32
      %sign3A_250 = arith.constant 0 : i32
      %sign3A_251 = arith.cmpi slt, %jit3A, %sign3A_250 : i32
      %sign3A_252 = arith.extui %sign3A_251 : i1 to i32
      %sign3A_253 = arith.subi %sign3A_249, %sign3A_252 : i32
      %ne3A = arith.cmpi ne, %sign3A_246, %sign3A_253 : i32
      %rem3A = arith.remsi %add3A_240, %jit3A : i32
      %ne3A_254 = arith.constant 0 : i32
      %ne3A_255 = arith.cmpi ne, %rem3A, %ne3A_254 : i32
      %and3A = arith.andi %ne3A, %ne3A_255 : i1
      %sub3A = arith.constant 1 : i32
      %sub3A_256 = arith.subi %div3A, %sub3A : i32
      %select_n3A = arith.select %and3A, %sub3A_256, %div3A : i32
      %jit3A_257 = arith.constant 2 : i32
      %eq3A = arith.constant 0 : i32
      %eq3A_258 = arith.cmpi eq, %jit3A_257, %eq3A : i32
      %jit3A_259 = arith.constant 1 : i32
      %select_n3A_260 = arith.select %eq3A_258, %jit3A_259, %jit3A_257 : i32
      %rem3A_261 = arith.remsi %add3A_240, %select_n3A_260 : i32
      %ne3A_262 = arith.constant 0 : i32
      %ne3A_263 = arith.cmpi ne, %rem3A_261, %ne3A_262 : i32
      %lt3A = arith.constant 0 : i32
      %lt3A_264 = arith.cmpi slt, %rem3A_261, %lt3A : i32
      %lt3A_265 = arith.constant 0 : i32
      %lt3A_266 = arith.cmpi slt, %select_n3A_260, %lt3A_265 : i32
      %ne3A_267 = arith.xori %lt3A_264, %lt3A_266 : i1
      %and3A_268 = arith.andi %ne3A_267, %ne3A_263 : i1
      %add3A_269 = arith.addi %rem3A_261, %select_n3A_260 : i32
      %select_n3A_270 = arith.select %and3A_268, %add3A_269, %rem3A_261 : i32
      %mul3A_271 = arith.constant 64 : i32
      %mul3A_272 = arith.muli %select_n3A_270, %mul3A_271 : i32
      %add3A_273 = arith.constant 0 : i32
      %add3A_274 = arith.addi %mul3A_272, %add3A_273 : i32
      %get3A = arith.index_cast %select_n3A : i32 to index
      %get3A_275 = arith.index_cast %add3A_274 : i32 to index
      %get3A_276 = tpu.vector_load %arg7[%get3A, %get3A_275] {strides = array<i32>} : memref<256x128xf32, #tpu.memory_space<vmem>>, vector<16xf32>,
      %swap3A = arith.index_cast %scan3A_238 : i32 to index
      %swap3A_277 = arith.constant 0 : index
      %swap3A_278 = tpu.vector_load %arg10[%swap3A, %swap3A_277] {strides = array<i32>} : memref<128x128xf32, #tpu.memory_space<vmem>>, vector<16xf32>,
      tpu.vector_store %arg10[%swap3A, %swap3A_277], %get3A_276 {add = true, strides = array<i32>} : memref<128x128xf32, #tpu.memory_space<vmem>>, vector<16xf32>,
      %add3A_279 = arith.constant 16 : i32
      %add3A_280 = arith.addi %mul3A_272, %add3A_279 : i32
      %get3A_281 = arith.index_cast %select_n3A : i32 to index
      %get3A_282 = arith.index_cast %add3A_280 : i32 to index
      %get3A_283 = tpu.vector_load %arg7[%get3A_281, %get3A_282] {strides = array<i32>} : memref<256x128xf32, #tpu.memory_space<vmem>>, vector<16xf32>,
      %swap3A_284 = arith.index_cast %scan3A_238 : i32 to index
      %swap3A_285 = arith.constant 16 : index
      %swap3A_286 = tpu.vector_load %arg10[%swap3A_284, %swap3A_285] {strides = array<i32>} : memref<128x128xf32, #tpu.memory_space<vmem>>, vector<16xf32>,
      tpu.vector_store %arg10[%swap3A_284, %swap3A_285], %get3A_283 {add = true, strides = array<i32>} : memref<128x128xf32, #tpu.memory_space<vmem>>, vector<16xf32>,
      %add3A_287 = arith.constant 32 : i32
      %add3A_288 = arith.addi %mul3A_272, %add3A_287 : i32
      %get3A_289 = arith.index_cast %select_n3A : i32 to index
      %get3A_290 = arith.index_cast %add3A_288 : i32 to index
      %get3A_291 = tpu.vector_load %arg7[%get3A_289, %get3A_290] {strides = array<i32>} : memref<256x128xf32, #tpu.memory_space<vmem>>, vector<16xf32>,
      %swap3A_292 = arith.index_cast %scan3A_238 : i32 to index
      %swap3A_293 = arith.constant 32 : index
      %swap3A_294 = tpu.vector_load %arg10[%swap3A_292, %swap3A_293] {strides = array<i32>} : memref<128x128xf32, #tpu.memory_space<vmem>>, vector<16xf32>,
      tpu.vector_store %arg10[%swap3A_292, %swap3A_293], %get3A_291 {add = true, strides = array<i32>} : memref<128x128xf32, #tpu.memory_space<vmem>>, vector<16xf32>,
      %add3A_295 = arith.constant 48 : i32
      %add3A_296 = arith.addi %mul3A_272, %add3A_295 : i32
      %get3A_297 = arith.index_cast %select_n3A : i32 to index
      %get3A_298 = arith.index_cast %add3A_296 : i32 to index
      %get3A_299 = tpu.vector_load %arg7[%get3A_297, %get3A_298] {strides = array<i32>} : memref<256x128xf32, #tpu.memory_space<vmem>>, vector<16xf32>,
      %swap3A_300 = arith.index_cast %scan3A_238 : i32 to index
      %swap3A_301 = arith.constant 48 : index
      %swap3A_302 = tpu.vector_load %arg10[%swap3A_300, %swap3A_301] {strides = array<i32>} : memref<128x128xf32, #tpu.memory_space<vmem>>, vector<16xf32>,
      tpu.vector_store %arg10[%swap3A_300, %swap3A_301], %get3A_299 {add = true, strides = array<i32>} : memref<128x128xf32, #tpu.memory_space<vmem>>, vector<16xf32>,
    }
    %scan3A_195 = arith.constant 128 : i32
    %add3A_196 = arith.constant 16128 : i32
    %add3A_197 = arith.addi %mul3A_2, %add3A_196 : i32
    %dma_start3A_198 = arith.constant 0 : i32
    %dma_start3A_199 = tpu.memref_slice %arg5[%add3A_197, %dma_start3A_198] : memref<524288x128xf32, #tpu.memory_space<hbm>> -> memref<128x128xf32, #tpu.memory_space<hbm>>
    %dma_start3A_200 = arith.constant 0 : i32
    %dma_start3A_201 = tpu.memref_slice %arg5[%add3A_197, %dma_start3A_200] : memref<524288x128xf32, #tpu.memory_space<hbm>> -> memref<128x128xf32, #tpu.memory_space<hbm>>
    tpu.enqueue_dma source(%arg10 : memref<128x128xf32, #tpu.memory_space<vmem>>) target(%dma_start3A_201 : memref<128x128xf32, #tpu.memory_space<hbm>>) target_semaphore(%arg18 : memref<!tpu.dma_semaphore, #tpu.memory_space<semaphore_mem>>)
    %dma_wait3A_202 = arith.constant 0 : i32
    %dma_wait3A_203 = arith.constant 0 : i32
    %dma_wait3A_204 = tpu.memref_slice %arg5[%dma_wait3A_202, %dma_wait3A_203] : memref<524288x128xf32, #tpu.memory_space<hbm>> -> memref<128x128xf32, #tpu.memory_space<hbm>>
    %dma_wait3A_205 = arith.constant 0 : i32
    %dma_wait3A_206 = arith.constant 0 : i32
    %dma_wait3A_207 = tpu.memref_slice %arg5[%dma_wait3A_205, %dma_wait3A_206] : memref<524288x128xf32, #tpu.memory_space<hbm>> -> memref<128x128xf32, #tpu.memory_space<hbm>>
    tpu.wait_dma2 semaphore(%arg17 : memref<!tpu.dma_semaphore, #tpu.memory_space<semaphore_mem>>) src(%dma_wait3A_207 : memref<128x128xf32, #tpu.memory_space<hbm>>) dst(%arg9 : memref<128x128xf32, #tpu.memory_space<vmem>>)
    %dma_wait3A_208 = arith.constant 0 : i32
    %dma_wait3A_209 = arith.constant 0 : i32
    %dma_wait3A_210 = tpu.memref_slice %arg3[%dma_wait3A_208, %dma_wait3A_209] : memref<1000000x128xf32, #tpu.memory_space<hbm>> -> memref<128x128xf32, #tpu.memory_space<hbm>>
    %dma_wait3A_211 = arith.constant 0 : i32
    %dma_wait3A_212 = arith.constant 0 : i32
    %dma_wait3A_213 = tpu.memref_slice %arg3[%dma_wait3A_211, %dma_wait3A_212] : memref<1000000x128xf32, #tpu.memory_space<hbm>> -> memref<128x128xf32, #tpu.memory_space<hbm>>
    tpu.wait_dma2 semaphore(%arg15 : memref<!tpu.dma_semaphore, #tpu.memory_space<semaphore_mem>>) src(%dma_wait3A_213 : memref<128x128xf32, #tpu.memory_space<hbm>>) dst(%arg11 : memref<128x128xf32, #tpu.memory_space<vmem>>)
    %scan3A_214 = arith.constant 0 : i32
    %scan3A_215 = arith.constant 0 : i32
    %scan3A_216 = arith.constant 128 : i32
    %scan3A_217 = arith.addi %scan3A_215, %scan3A_216 : i32
    %scan3A_218 = arith.constant 1 : i32
    scf.for %scan3A_238 = %scan3A_215 to %scan3A_217 step %scan3A_218  : i32 {
      %add3A_239 = arith.constant 384 : i32
      %add3A_240 = arith.addi %add3A_239, %scan3A_238 : i32
      %jit3A = arith.constant 2 : i32
      %div3A = arith.divsi %add3A_240, %jit3A : i32
      %sign3A = arith.constant 0 : i32
      %sign3A_241 = arith.cmpi sgt, %add3A_240, %sign3A : i32
      %sign3A_242 = arith.extui %sign3A_241 : i1 to i32
      %sign3A_243 = arith.constant 0 : i32
      %sign3A_244 = arith.cmpi slt, %add3A_240, %sign3A_243 : i32
      %sign3A_245 = arith.extui %sign3A_244 : i1 to i32
      %sign3A_246 = arith.subi %sign3A_242, %sign3A_245 : i32
      %sign3A_247 = arith.constant 0 : i32
      %sign3A_248 = arith.cmpi sgt, %jit3A, %sign3A_247 : i32
      %sign3A_249 = arith.extui %sign3A_248 : i1 to i32
      %sign3A_250 = arith.constant 0 : i32
      %sign3A_251 = arith.cmpi slt, %jit3A, %sign3A_250 : i32
      %sign3A_252 = arith.extui %sign3A_251 : i1 to i32
      %sign3A_253 = arith.subi %sign3A_249, %sign3A_252 : i32
      %ne3A = arith.cmpi ne, %sign3A_246, %sign3A_253 : i32
      %rem3A = arith.remsi %add3A_240, %jit3A : i32
      %ne3A_254 = arith.constant 0 : i32
      %ne3A_255 = arith.cmpi ne, %rem3A, %ne3A_254 : i32
      %and3A = arith.andi %ne3A, %ne3A_255 : i1
      %sub3A = arith.constant 1 : i32
      %sub3A_256 = arith.subi %div3A, %sub3A : i32
      %select_n3A = arith.select %and3A, %sub3A_256, %div3A : i32
      %jit3A_257 = arith.constant 2 : i32
      %eq3A = arith.constant 0 : i32
      %eq3A_258 = arith.cmpi eq, %jit3A_257, %eq3A : i32
      %jit3A_259 = arith.constant 1 : i32
      %select_n3A_260 = arith.select %eq3A_258, %jit3A_259, %jit3A_257 : i32
      %rem3A_261 = arith.remsi %add3A_240, %select_n3A_260 : i32
      %ne3A_262 = arith.constant 0 : i32
      %ne3A_263 = arith.cmpi ne, %rem3A_261, %ne3A_262 : i32
      %lt3A = arith.constant 0 : i32
      %lt3A_264 = arith.cmpi slt, %rem3A_261, %lt3A : i32
      %lt3A_265 = arith.constant 0 : i32
      %lt3A_266 = arith.cmpi slt, %select_n3A_260, %lt3A_265 : i32
      %ne3A_267 = arith.xori %lt3A_264, %lt3A_266 : i1
      %and3A_268 = arith.andi %ne3A_267, %ne3A_263 : i1
      %add3A_269 = arith.addi %rem3A_261, %select_n3A_260 : i32
      %select_n3A_270 = arith.select %and3A_268, %add3A_269, %rem3A_261 : i32
      %mul3A_271 = arith.constant 64 : i32
      %mul3A_272 = arith.muli %select_n3A_270, %mul3A_271 : i32
      %add3A_273 = arith.constant 0 : i32
      %add3A_274 = arith.addi %mul3A_272, %add3A_273 : i32
      %get3A = arith.index_cast %select_n3A : i32 to index
      %get3A_275 = arith.index_cast %add3A_274 : i32 to index
      %get3A_276 = tpu.vector_load %arg7[%get3A, %get3A_275] {strides = array<i32>} : memref<256x128xf32, #tpu.memory_space<vmem>>, vector<16xf32>,
      %swap3A = arith.index_cast %scan3A_238 : i32 to index
      %swap3A_277 = arith.constant 0 : index
      %swap3A_278 = tpu.vector_load %arg11[%swap3A, %swap3A_277] {strides = array<i32>} : memref<128x128xf32, #tpu.memory_space<vmem>>, vector<16xf32>,
      tpu.vector_store %arg11[%swap3A, %swap3A_277], %get3A_276 {add = true, strides = array<i32>} : memref<128x128xf32, #tpu.memory_space<vmem>>, vector<16xf32>,
      %add3A_279 = arith.constant 16 : i32
      %add3A_280 = arith.addi %mul3A_272, %add3A_279 : i32
      %get3A_281 = arith.index_cast %select_n3A : i32 to index
      %get3A_282 = arith.index_cast %add3A_280 : i32 to index
      %get3A_283 = tpu.vector_load %arg7[%get3A_281, %get3A_282] {strides = array<i32>} : memref<256x128xf32, #tpu.memory_space<vmem>>, vector<16xf32>,
      %swap3A_284 = arith.index_cast %scan3A_238 : i32 to index
      %swap3A_285 = arith.constant 16 : index
      %swap3A_286 = tpu.vector_load %arg11[%swap3A_284, %swap3A_285] {strides = array<i32>} : memref<128x128xf32, #tpu.memory_space<vmem>>, vector<16xf32>,
      tpu.vector_store %arg11[%swap3A_284, %swap3A_285], %get3A_283 {add = true, strides = array<i32>} : memref<128x128xf32, #tpu.memory_space<vmem>>, vector<16xf32>,
      %add3A_287 = arith.constant 32 : i32
      %add3A_288 = arith.addi %mul3A_272, %add3A_287 : i32
      %get3A_289 = arith.index_cast %select_n3A : i32 to index
      %get3A_290 = arith.index_cast %add3A_288 : i32 to index
      %get3A_291 = tpu.vector_load %arg7[%get3A_289, %get3A_290] {strides = array<i32>} : memref<256x128xf32, #tpu.memory_space<vmem>>, vector<16xf32>,
      %swap3A_292 = arith.index_cast %scan3A_238 : i32 to index
      %swap3A_293 = arith.constant 32 : index
      %swap3A_294 = tpu.vector_load %arg11[%swap3A_292, %swap3A_293] {strides = array<i32>} : memref<128x128xf32, #tpu.memory_space<vmem>>, vector<16xf32>,
      tpu.vector_store %arg11[%swap3A_292, %swap3A_293], %get3A_291 {add = true, strides = array<i32>} : memref<128x128xf32, #tpu.memory_space<vmem>>, vector<16xf32>,
      %add3A_295 = arith.constant 48 : i32
      %add3A_296 = arith.addi %mul3A_272, %add3A_295 : i32
      %get3A_297 = arith.index_cast %select_n3A : i32 to index
      %get3A_298 = arith.index_cast %add3A_296 : i32 to index
      %get3A_299 = tpu.vector_load %arg7[%get3A_297, %get3A_298] {strides = array<i32>} : memref<256x128xf32, #tpu.memory_space<vmem>>, vector<16xf32>,
      %swap3A_300 = arith.index_cast %scan3A_238 : i32 to index
      %swap3A_301 = arith.constant 48 : index
      %swap3A_302 = tpu.vector_load %arg11[%swap3A_300, %swap3A_301] {strides = array<i32>} : memref<128x128xf32, #tpu.memory_space<vmem>>, vector<16xf32>,
      tpu.vector_store %arg11[%swap3A_300, %swap3A_301], %get3A_299 {add = true, strides = array<i32>} : memref<128x128xf32, #tpu.memory_space<vmem>>, vector<16xf32>,
    }
    %scan3A_219 = arith.constant 128 : i32
    %add3A_220 = arith.constant 16256 : i32
    %add3A_221 = arith.addi %mul3A_2, %add3A_220 : i32
    %dma_start3A_222 = arith.constant 0 : i32
    %dma_start3A_223 = tpu.memref_slice %arg5[%add3A_221, %dma_start3A_222] : memref<524288x128xf32, #tpu.memory_space<hbm>> -> memref<128x128xf32, #tpu.memory_space<hbm>>
    %dma_start3A_224 = arith.constant 0 : i32
    %dma_start3A_225 = tpu.memref_slice %arg5[%add3A_221, %dma_start3A_224] : memref<524288x128xf32, #tpu.memory_space<hbm>> -> memref<128x128xf32, #tpu.memory_space<hbm>>
    tpu.enqueue_dma source(%arg11 : memref<128x128xf32, #tpu.memory_space<vmem>>) target(%dma_start3A_225 : memref<128x128xf32, #tpu.memory_space<hbm>>) target_semaphore(%arg19 : memref<!tpu.dma_semaphore, #tpu.memory_space<semaphore_mem>>)
    %dma_wait3A_226 = arith.constant 0 : i32
    %dma_wait3A_227 = arith.constant 0 : i32
    %dma_wait3A_228 = tpu.memref_slice %arg5[%dma_wait3A_226, %dma_wait3A_227] : memref<524288x128xf32, #tpu.memory_space<hbm>> -> memref<128x128xf32, #tpu.memory_space<hbm>>
    %dma_wait3A_229 = arith.constant 0 : i32
    %dma_wait3A_230 = arith.constant 0 : i32
    %dma_wait3A_231 = tpu.memref_slice %arg5[%dma_wait3A_229, %dma_wait3A_230] : memref<524288x128xf32, #tpu.memory_space<hbm>> -> memref<128x128xf32, #tpu.memory_space<hbm>>
    tpu.wait_dma2 semaphore(%arg18 : memref<!tpu.dma_semaphore, #tpu.memory_space<semaphore_mem>>) src(%dma_wait3A_231 : memref<128x128xf32, #tpu.memory_space<hbm>>) dst(%arg10 : memref<128x128xf32, #tpu.memory_space<vmem>>)
    %dma_wait3A_232 = arith.constant 0 : i32
    %dma_wait3A_233 = arith.constant 0 : i32
    %dma_wait3A_234 = tpu.memref_slice %arg5[%dma_wait3A_232, %dma_wait3A_233] : memref<524288x128xf32, #tpu.memory_space<hbm>> -> memref<128x128xf32, #tpu.memory_space<hbm>>
    %dma_wait3A_235 = arith.constant 0 : i32
    %dma_wait3A_236 = arith.constant 0 : i32
    %dma_wait3A_237 = tpu.memref_slice %arg5[%dma_wait3A_235, %dma_wait3A_236] : memref<524288x128xf32, #tpu.memory_space<hbm>> -> memref<128x128xf32, #tpu.memory_space<hbm>>
    tpu.wait_dma2 semaphore(%arg19 : memref<!tpu.dma_semaphore, #tpu.memory_space<semaphore_mem>>) src(%dma_wait3A_237 : memref<128x128xf32, #tpu.memory_space<hbm>>) dst(%arg11 : memref<128x128xf32, #tpu.memory_space<vmem>>)
    return
  }
}

module attributes {stable_mosaic.version = 14 : i64} {
  func.func @body(%arg0: i32, %arg1: memref<64x16384xf32, #tpu.memory_space<vmem>>, %arg2: memref<16384x128xf32, #tpu.memory_space<vmem>>) attributes {dimension_semantics = [#tpu.dimension_semantics<arbitrary>], iteration_bounds = array<i64: 62>, scalar_prefetch = 0 : i64, scratch_operands = 0 : i64, tpu.core_type = #tpu.core_type<tc>, window_params = [{transform_indices = @transform_0, window_bounds = array<i64: 64, 16384>}, {transform_indices = @transform_1, window_bounds = array<i64: 16384, 128>}]} {
    %get3A = arith.constant 0 : index
    %get3A_0 = arith.constant 0 : index
    %get3A_1 = vector.load %arg1[%get3A, %get3A_0] : memref<64x16384xf32, #tpu.memory_space<vmem>>, vector<64x16384xf32>
    %transpose3A = tpu.transpose %get3A_1, [1, 0] : vector<64x16384xf32> -> vector<16384x64xf32>
    %swap3A = arith.constant 0 : index
    %swap3A_2 = arith.constant 0 : index
    %swap3A_3 = vector.load %arg2[%swap3A, %swap3A_2] : memref<16384x128xf32, #tpu.memory_space<vmem>>, vector<16384x64xf32>
    tpu.vector_store %arg2[%swap3A, %swap3A_2], %transpose3A {strides = array<i32>} : memref<16384x128xf32, #tpu.memory_space<vmem>>, vector<16384x64xf32>,
    return
  }
  func.func @transform_0(%arg0: i32) -> (i32, i32) {
    %c0_i32 = arith.constant 0 : i32
    %c0_i32_0 = arith.constant 0 : i32
    return %c0_i32, %arg0 : i32, i32
  }
  func.func @transform_1(%arg0: i32) -> (i32, i32) {
    %c0_i32 = arith.constant 0 : i32
    %c0_i32_0 = arith.constant 0 : i32
    return %arg0, %c0_i32 : i32, i32
  }
}

</mosaic_0001>

<sc_bundles>
// kernel: kernel.4.cloned.1.call-start
scs
__scs_entry_jumppad:
0x0: {  	(pc) =	sbr.rel $0x88, $3  }
0x1: {  	(tag) =	ssettag $0x0;
	lr =	simm.s32 $0x1  }
0x2: {  	[smem:$0x3F9E] =	sst lr;
	_ =	strace $0xD0000000  }
0x3: {  	_ = 	snop  }
0x4: {  	_ = 	snop  }
0x5: {  	_ = 	snop  }
0x6: {  	_ = 	snop  }
0x7: {  	_ = 	snop  }
__scs_overlays_trampoline_lowered:
0x8: {  	[smem:$0x3FAD] =	sst s0  }
0x9: {  	[smem:$0x3FAE] =	sst s1  }
0xa: {  	[smem:$0x3FAF] =	sst s2  }
0xb: {  	[smem:$0x3FB0] =	sst s3  }
0xc: {  	[smem:$0x3FB1] =	sst s4  }
0xd: {  	[smem:$0x3FB2] =	sst s5  }
0xe: {  	[smem:$0x3FB3] =	sst s6  }
0xf: {  	[smem:$0x3FB4] =	sst s7  }
0x10: {  	[smem:$0x3FB5] =	sst s8  }
0x11: {  	[smem:$0x3FB6] =	sst s9;
	s0 =	simm.s32 @!p0 $0x0  }
0x12: {  	s1 =	sld [smem:$0x3F9C];
	s0 =	simm.s32 @p0 $0x1  }
0x13: {  	[smem:$0x3FB7] =	sst s0;
	s0 =	simm.s32 @!p1 $0x0  }
0x14: {  	s2 =	sld [smem:$0x3F9B];
	s0 =	simm.s32 @p1 $0x1  }
0x15: {  	[smem:$0x3FB8] =	sst s0;
	s0 =	simm.s32 @!p2 $0x0  }
0x16: {  	s3 =	sld [smem:$0x3FDB];
	s0 =	simm.s32 @p2 $0x1  }
0x17: {  	s4 =	simm.s32 $0x1BF5;
	[smem:$0x3FBA] =	sst s0  }
0x18: {  	s0 =	sld [smem:$0x3F9D];
	_ =	swait.ge [sflag:s4], $0x0  }
0x19: {  	s7 =	sld [smem:$0x3F9E]  }
0x1a: {  	s8 =	sadd.s32 $0xFFFFE003, lr  }
0x1b: {  	s9 =	sadd.s32 $0xFFFFFEF7, lr;
	s5 =	simm.s32 $0xFFFFFFFF;
	p2 =	slt.u32 s8, $0xFFFFF086  }
0x1c: {  	p1 =	slt.u32 s9, $0xF7A;
	s5 =	simm.s32 @!p2 $0x0  }
0x1d: {  	s5 =	simm.s32 @p1 $0x1;
	p0 =	seq.s32 s7, s2  }
0x1e: {  	s7 =	smul.u32 @!p0 $0xF7A, s2;
	p2 =	seq.s32 @!p0 s5, $0x0  }
0x1f: {  	s9 =	smul.u32 $0xF7A, s1;
	s8 =	simm.s32 @!p0 $0x1BF5;
	p2 =	por !p2, p0  }
0x20: {  	[sflag:s8] =	ssyncset.s32 @!p0 $0xFFFFF086;
	s6 =	sadd.s32 @!p0 s3, s7;
	s7 =	simm.s32 @!p0 $0x108  }
0x21: {  	s3 =	sadd.s32 s3, s9;
	s6 =	sadd.s32 @!p0 $0x88, s6;
	s7 =	simm.s32 @p2 $0x1082  }
0x22: {  	[simem:s7], [sflag:s8] =	dma.local @!p0 [hbm:s6], $0xF7A  }
0x23: {  	s9 =	sor.u32 $0xD0000000, s2;
	s6 =	simm.s32 $0x108;
	_ =	swait.ge @!p0 [sflag:s8], $0x0  }
0x24: {  	s3 =	sadd.s32 $0x88, s3;
	s6 =	simm.s32 @!p1 $0x1082;
	[sflag:s4] =	ssyncset.s32 $0xFFFFF086  }
0x25: {  	[simem:s6], [sflag:s4] =	dma.local [hbm:s3], $0xF7A  }
0x26: {  	[smem:$0x3F9E] =	sst s1;
	(tag) =	ssettag s2;
	_ =	strace s9  }
0x27: {  	s1 =	sld [smem:$0x3FAE]  }
0x28: {  	s2 =	sld [smem:$0x3FAF]  }
0x29: {  	s4 =	sld [smem:$0x3FB1]  }
0x2a: {  	p0 =	seq.s32 s5, $0x0;
	s5 =	sld [smem:$0x3FB2]  }
0x2b: {  	s6 =	sld [smem:$0x3FB3]  }
0x2c: {  	s7 =	sld [smem:$0x3FB4]  }
0x2d: {  	s3 =	simm.s32 $0x108;
	s8 =	sld [smem:$0x3FB5]  }
0x2e: {  	s3 =	simm.s32 @!p0 $0x1082;
	s9 =	sld [smem:$0x3FB6]  }
0x2f: {  	lr =	sadd.s32 s0, s3;
	s0 =	sld [smem:$0x3FAD]  }
0x30: {  	s3 =	sld [smem:$0x3FB0]  }
0x31: {  	[smem:$0x3FB9] =	sst s10  }
0x32: {  	s10 =	sld [smem:$0x3FB7];
	_ =	sdelay $0x3  }
0x33: {  	p0 =	seq.s32 s10, $0x1;
	s10 =	sld [smem:$0x3FB9];
	_ =	sdelay $0x3  }
0x34: {  	[smem:$0x3FB9] =	sst s10  }
0x35: {  	s10 =	sld [smem:$0x3FB8];
	_ =	sdelay $0x3  }
0x36: {  	p1 =	seq.s32 s10, $0x1;
	s10 =	sld [smem:$0x3FB9];
	_ =	sdelay $0x3  }
0x37: {  	[smem:$0x3FB9] =	sst s10  }
0x38: {  	s10 =	sld [smem:$0x3FBA]  }
0x39: {  	_ = 	snop;
	(pc) =	sbr.ind lr, $3  }
0x3a: {  	_ = 	snop  }
0x3b: {  	_ = 	snop  }
0x3c: {  	p2 =	seq.s32 s10, $0x1;
	s10 =	sld [smem:$0x3FB9]  }
0x3d: {  	_ =	shalt  }
0x3e: {  	_ =	shalt  }
0x3f: {  	_ =	shalt  }
0x40: {  	_ =	shalt  }
0x41: {  	_ =	shalt  }
0x42: {  	_ =	shalt  }
0x43: {  	_ =	shalt  }
0x44: {  	_ =	shalt  }
0x45: {  	_ =	shalt  }
0x46: {  	_ =	shalt  }
0x47: {  	_ =	shalt  }
0x48: {  	_ =	shalt  }
0x49: {  	_ =	shalt  }
0x4a: {  	_ =	shalt  }
0x4b: {  	_ =	shalt  }
0x4c: {  	_ =	shalt  }
0x4d: {  	_ =	shalt  }
0x4e: {  	_ =	shalt  }
0x4f: {  	_ =	shalt  }
0x50: {  	_ =	shalt  }
0x51: {  	_ =	shalt  }
0x52: {  	_ =	shalt  }
0x53: {  	_ =	shalt  }
0x54: {  	_ =	shalt  }
0x55: {  	_ =	shalt  }
0x56: {  	_ =	shalt  }
0x57: {  	_ =	shalt  }
0x58: {  	_ =	shalt  }
0x59: {  	_ =	shalt  }
0x5a: {  	_ =	shalt  }
0x5b: {  	_ =	shalt  }
0x5c: {  	_ =	shalt  }
0x5d: {  	_ =	shalt  }
0x5e: {  	_ =	shalt  }
0x5f: {  	_ =	shalt  }
0x60: {  	_ =	shalt  }
0x61: {  	_ =	shalt  }
0x62: {  	_ =	shalt  }
0x63: {  	_ =	shalt  }
0x64: {  	_ =	shalt  }
0x65: {  	_ =	shalt  }
0x66: {  	_ =	shalt  }
0x67: {  	_ =	shalt  }
0x68: {  	_ =	shalt  }
0x69: {  	_ =	shalt  }
0x6a: {  	_ =	shalt  }
0x6b: {  	_ =	shalt  }
0x6c: {  	_ =	shalt  }
0x6d: {  	_ =	shalt  }
0x6e: {  	_ =	shalt  }
0x6f: {  	_ =	shalt  }
0x70: {  	_ =	shalt  }
0x71: {  	_ =	shalt  }
0x72: {  	_ =	shalt  }
0x73: {  	_ =	shalt  }
0x74: {  	_ =	shalt  }
0x75: {  	_ =	shalt  }
0x76: {  	_ =	shalt  }
0x77: {  	_ =	shalt  }
0x78: {  	_ =	shalt  }
0x79: {  	_ =	shalt  }
0x7a: {  	_ =	shalt  }
0x7b: {  	_ =	shalt  }
0x7c: {  	_ =	shalt  }
0x7d: {  	_ =	shalt  }
0x7e: {  	_ =	shalt  }
0x7f: {  	_ =	shalt  }
0x80: {  	_ =	shalt  }
0x81: {  	_ =	shalt  }
0x82: {  	_ =	shalt  }
0x83: {  	_ =	shalt  }
0x84: {  	_ =	shalt  }
0x85: {  	_ =	shalt  }
0x86: {  	_ =	shalt  }
0x87: {  	_ =	shalt  }
.Lfunc_end0:
.L_simem_size_0:
called_computation.1_lowered:
.L_overlay_start_0:
0x88: {  	s2 =	sld [smem:$0x3FD9]  }
0x89: {  	s3 =	sld [smem:$0x3FFE];
	_ =	sdelay $0x1  }
0x8a: {  	s1 =	srdreg.scid  }
0x8b: {  	s0 =	sand.u32 $0x1, s1  }
0x8c: {  	s17 =	sshll.u32 s0, $0xA;
	s2 =	sadd.s32 s3, s2  }
0x8d: {  	s2 =	sadd.s32 s2, s17  }
0x8e: {  	[smem:$0x3FC5] =	sst s2  }
0x8f: {  	_ = 	snop  }
0x90: {  	s2 =	sld [smem:$0x3FD0];
	(tm) =	ssettm $0x1  }
0x91: {  	s18 =	sld [smem:$0x3FFB];
	_ =	sdelay $0x3  }
0x92: {  	_ =	strace s18  }
0x93: {  	s3 =	sld [smem:$0x3FFC];
	_ =	sdelay $0x3  }
0x94: {  	_ =	strace s3  }
0x95: {  	s3 =	sld [smem:$0x3FFD];
	_ =	sdelay $0x3  }
0x96: {  	_ =	strace s3  }
0x97: {  	_ =	strace $0x8FFFFFFF  }
0x98: {  	s19 =	sld [smem:$0x3FDB];
	_ =	sdelay $0x1  }
0x99: {  	s4 =	simm.s32 $_scs_section_size  }
0x9a: {  	s5 =	simm.s32 $_size__tile_overlayer_lowered;
	s6 =	simm.s32 $_tile_overlayer_lowered  }
0x9b: {  	s22 =	simm.s32 $0x1BFF;
	s21 =	sshll.u32 s6, $0x1;
	s3 =	sadd.s32 s4, s19  }
0x9c: {  	s7 =	simm.s32 $0x0;
	s20 =	sshll.u32 s5, $0x1;
	s5 =	sadd.s32 s21, s3  }
0x9d: {  	[timem:s7], [sflag:s22] =	dma.local [hbm:s5], s20  }
0x9e: {  	_ =	swait.ge [sflag:s22], s20  }
0x9f: {  	s4 =	ssub.s32 $0x0, s20;
	[sflag:s22] =	ssyncset.done $0x0  }
0xa0: {  	[sflag:s22] =	ssyncadd.s32 s4;
	_ =	sdelay $0x1  }
0xa1: {  	s23 =	simm.s32 $0x1B8B  }
0xa2: {  	_ =	swait.ge [sflag:s23], $0x1  }
0xa3: {  	[sflag:s23] =	ssyncset.done $0x0  }
0xa4: {  	s25 =	simm.s32 $0x1B8E;
	s24 =	sld [smem:$0x3FFE];
	[sflag:s23] =	ssyncadd.s32 $0xFFFFFFFF  }
0xa5: {  	s26 =	simm.s32 $execute0_lowered;
	[smem:$0x3FD2] =	sst s25  }
0xa6: {  	s5 =	sshll.u32 s26, $0x1;
	_ =	strace $0x80000046;
	[dreg:$0x1] =	wrdreg $0xFFFFFFFF  }
0xa7: {  	s28 =	simm.s32 $_size_execute0_lowered;
	s3 =	sadd.s32 s3, s5;
	[dreg:$0x0] =	wrdreg $0x0  }
0xa8: {  	s5 =	sshll.u32 s28, $0x1;
	[dreg:$0x2] =	wrdreg s3  }
0xa9: {  	[dreg:$0x3] =	wrdreg s5  }
0xaa: {  	[dreg:$0x4] =	wrdreg $0xC0  }
0xab: {  	_ =	task [dreg:s7], $0x5FFFF  }
0xac: {  	[dreg:$0x1] =	wrdreg $0xFFFFFFFF  }
0xad: {  	[dreg:$0x0] =	wrdreg $0x60  }
0xae: {  	[dreg:$0x2] =	wrdreg s2  }
0xaf: {  	[dreg:$0x3] =	wrdreg s24  }
0xb0: {  	[dreg:$0x4] =	wrdreg $0x9  }
0xb1: {  	_ =	task.clear_ibuf [dreg:s7], $0x5FFFF;
	_ =	strace $0x90000046  }
0xb2: {  	s29 =	simm.s32 $0x9;
	_ =	strace $0x80000048  }
0xb3: {  	_ =	swait.ge [sflag:s29], $0x1  }
0xb4: {  	[sflag:s29] =	ssyncadd.s32 $0xFFFFFFFF  }
0xb5: {  	_ =	strace $0x90000048  }
0xb6: {  	_ =	sfence  }
0xb7: {  	s30 =	sld [smem:$0x0];
	_ =	sdelay $0x2  }
0xb8: {  	s31 =	sshll.u32 s1, $0xD;
	s1 =	sshrl.u32 s1, $0x2  }
0xb9: {  	s3 =	sand.u32 $0x4000, s31;
	s1 =	sadd.s32 s1, s30  }
0xba: {  	s0 =	sor.u32 s3, s0;
	s1 =	sshll.u32 s1, $0x11  }
0xbb: {  	s0 =	sor.u32 s1, s0  }
0xbc: {  	s0 =	sadd.s32 $0x8F2B, s0  }
0xbd: {  	[sflag:s0] =	ssyncadd.remote.s32 $0x1  }
0xbe: {  	_ =	sfence.sel $0xFFFF  }
0xbf: {  	[dreg:$0x0] =	wrdreg $0xFFFFFFFF;
	(pc) =	sbr.abs _section_cstart, $3  }
0xc0: {  	[dreg:$0x1] =	wrdreg $0xFFFFFFFF  }
0xc1: {  	_ =	task.clear_ibuf [dreg:s7], $0x2FFFF;
	_ =	strace $0x9FFFFFFF  }
0xc2: {  	(tm) =	ssettm $0x7FFFFFFF  }
0xc3: {  	_ =	shalt  }
tec
execute0_lowered:
.L_overlay_start_1:
0x0: {  	(tag) =	ssettag $0x1  }
0x1: {  	s0 =	rddreg [dreg:$0x0]  }
0x2: {  	s2 =	rddreg [dreg:$0x1]  }
0x3: {  	s1 =	simm.s32 $0x0;
	s4 =	srdreg.scid;
	s5 =	stileid.u32  }
0x4: {  	s17 =	simm.s32 $0x9;
	s19 =	simm.s32 $0x80;
	s20 =	simm.s32 $0x10000  }
0x5: {  	s28 =	simm.s32 $0x2;
	s29 =	simm.s32 $0x5;
	s31 =	simm.s32 $0x3  }
0x6: {  	s18 =	simm.s32 $0x4;
	s30 =	simm.s32 $0x8;
	[smem:$0x7FF] =	sst s1  }
0x7: {  	s3 =	sadd.s32 $0x1800, s2;
	s6 =	sadd.s32 $0x800, s2;
	s21 =	sshll.u32 s5, $0xF  }
0x8: {  	s4 =	sand.u32 $0x1, s4;
	s5 =	sadd.s32 $0xF43C00, s2;
	_ =	strace $0x80000047  }
0x9: {  	[dreg:$0x3] =	wrdreg s6;
	s7 =	sshll.u32 s4, $0xE;
	s22 =	ssub.s32 $0x2, s4  }
0xa: {  	s6 =	sor.u32 s7, s21;
	s4 =	sshrl.u32 s22, $0x1;
	s21 =	simm.s32 $0x7  }
0xb: {  	s7 =	sshrl.u32 s6, $0x3;
	s8 =	sshll.u32 s6, $0x4;
	s2 =	ssub.s32 s22, s4  }
0xc: {  	s22 =	simm.s32 $0x14000;
	s0 =	sadd.s32 s0, s7;
	s8 =	sadd.s32 s5, s8  }
0xd: {  	s16 =	smax.u32 s2, $0x1;
	[dreg:$0x4] =	wrdreg s0;
	s23 =	sadd.s32 $0x800, s8  }
0xe: {  	s24 =	sadd.s32 $0x1000, s8;
	s25 =	sadd.s32 $0x1800, s8;
	[dreg:$0x5] =	wrdreg s23  }
0xf: {  	s26 =	sadd.s32 $0x3E000, s8;
	s13 =	sadd.s32 $0x3E800, s8;
	[dreg:$0x6] =	wrdreg s24  }
0x10: {  	s14 =	sadd.s32 $0x3F000, s8;
	s15 =	sadd.s32 $0x3F800, s8;
	[dreg:$0x7] =	wrdreg s25  }
0x11: {  	s0 =	simm.s32 $0x6;
	[dreg:$0x8] =	wrdreg s26;
	s24 =	simm.s32 $0x18000  }
0x12: {  	s25 =	simm.s32 $0x1;
	s26 =	simm.s32 $0xC000;
	s23 =	simm.s32 $0x0  }
.LBB2_1:
0x13: {  	s2 =	rddreg [dreg:$0x4]  }
0x14: {  	[tilespmem:s1], [sflag:$0x9] =	stream.linear.gather [hbm4b:s2+s1], $0x4000, $0x38;
	[tilespmem:$0x1C000] =	vst v63  }
0x15: {  	_ =	swait.ge [sflag:s17], $0x4000  }
0x16: {  	[sflag:s17] =	ssyncset.done $0x0  }
0x17: {  	s4 =	simm.s32 $0x4000;
	s7 =	rddreg [dreg:$0x3];
	[sflag:s17] =	ssyncadd.s32 $0xFFFFC000  }
0x18: {  	[tilespmem:s4], [sflag:$0x9] =	stream.linear.gather [hbm4b:s7+s1], $0x8000, $0x38;
	[tilespmem:$0x1C000] =	vst v63  }
0x19: {  	_ =	swait.ge [sflag:s17], $0x8000  }
0x1a: {  	[sflag:s17] =	ssyncset.done $0x0  }
0x1b: {  	[sflag:s17] =	ssyncadd.s32 $0xFFFF8000  }
0x1c: {  	[tilespmem:s26], [sflag:$0x1] =	stream.indirect.gather [hbm4b:s3+s19], $0x80, s1, s19, $0xb8;
	[tilespmem:$0x1C000] =	vst v63  }
0x1d: {  	_ = 	snop  }
0x1e: {  	[tilespmem:s20], [sflag:$0x2] =	stream.indirect.gather [hbm4b:s3+s19], $0x80, s19, s19, $0xb8;
	[tilespmem:$0x1C000] =	vst v63  }
0x1f: {  	s9 =	simm.s32 $0x100  }
0x20: {  	[tilespmem:s22], [sflag:$0x3] =	stream.indirect.gather [hbm4b:s3+s19], $0x80, s9, s19, $0xb8;
	[tilespmem:$0x1C000] =	vst v63  }
0x21: {  	s10 =	simm.s32 $0x180  }
0x22: {  	[tilespmem:s24], [sflag:$0x4] =	stream.indirect.gather [hbm4b:s3+s19], $0x80, s10, s19, $0xb8;
	[tilespmem:$0x1C000] =	vst v63  }
0x23: {  	_ =	swait.ge [sflag:s25], $0x4000  }
0x24: {  	[sflag:s25] =	ssyncset.done $0x0  }
0x25: {  	s11 =	sand.u32 $0x1FC0, s1;
	[sflag:s25] =	ssyncadd.s32 $0xFFFFC000  }
0x26: {  	v0 =	vld [tilespmem:s11+$0x4000];
	_ =	sdelay $0x4  }
0x27: {  	[tilespmem:s26+$0x0] =	vst.add.f32.msk $0xffff, v0  }
0x28: {  	v0 =	vld [tilespmem:s11+$0x4010];
	_ =	sdelay $0x4  }
0x29: {  	[tilespmem:s26+$0x10] =	vst.add.f32.msk $0xffff, v0  }
0x2a: {  	v0 =	vld [tilespmem:s11+$0x4020];
	_ =	sdelay $0x4  }
0x2b: {  	[tilespmem:s26+$0x20] =	vst.add.f32.msk $0xffff, v0  }
0x2c: {  	v0 =	vld [tilespmem:s11+$0x4030];
	_ =	sdelay $0x3  }
0x2d: {  	s12 =	simm.s32 $0x40  }
0x2e: {  	s2 =	sand.u32 $0x1FC0, s12;
	s7 =	simm.s32 $0x80;
	s4 =	simm.s32 $0xC000;
	[tilespmem:s26+$0x30] =	vst.add.f32.msk $0xffff, v0  }
.LBB2_2:
0x2f: {  	p0 =	sne.s32 s7, $0x1FC0;
	v0 =	vld [tilespmem:s2+$0x4000];
	_ =	sdelay $0x3  }
0x30: {  	s4 =	sadd.s32 $0x80, s4  }
0x31: {  	[tilespmem:s4+$0x0] =	vst.add.f32.msk $0xffff, v0  }
0x32: {  	v0 =	vld [tilespmem:s2+$0x4010];
	_ =	sdelay $0x4  }
0x33: {  	[tilespmem:s4+$0x10] =	vst.add.f32.msk $0xffff, v0  }
0x34: {  	v0 =	vld [tilespmem:s2+$0x4020];
	_ =	sdelay $0x4  }
0x35: {  	[tilespmem:s4+$0x20] =	vst.add.f32.msk $0xffff, v0  }
0x36: {  	v0 =	vld [tilespmem:s2+$0x4030]  }
.Ltmp0:
0x37: {  	(pc) =	sbr.rel @p0 .LBB2_2-.Ltmp0, $2  }
0x38: {  	_ =	sdelay $0x2  }
0x39: {  	s2 =	sand.u32 $0x1FC0, s7;
	s7 =	sadd.s32 $0x40, s7;
	[tilespmem:s4+$0x30] =	vst.add.f32.msk $0xffff, v0  }
0x3a: {  	v0 =	vld [tilespmem:s2+$0x4000];
	_ =	sdelay $0x3  }
0x3b: {  	s4 =	sadd.s32 $0x80, s4  }
0x3c: {  	[tilespmem:s4+$0x0] =	vst.add.f32.msk $0xffff, v0  }
0x3d: {  	v0 =	vld [tilespmem:s2+$0x4010];
	_ =	sdelay $0x4  }
0x3e: {  	[tilespmem:s4+$0x10] =	vst.add.f32.msk $0xffff, v0  }
0x3f: {  	v0 =	vld [tilespmem:s2+$0x4020];
	_ =	sdelay $0x4  }
0x40: {  	[tilespmem:s4+$0x20] =	vst.add.f32.msk $0xffff, v0  }
0x41: {  	v0 =	vld [tilespmem:s2+$0x4030];
	_ =	sdelay $0x4  }
0x42: {  	s10 =	simm.s32 $0x0;
	[tilespmem:s4+$0x30] =	vst.add.f32.msk $0xffff, v0  }
0x43: {  	[hbm4b:s8+s10] =	stream.linear.scatter [tilespmem:s26], [sflag:$0x5], $0x4000, $0x38;
	[tilespmem:$0x1C000] =	vst v63  }
0x44: {  	_ =	swait.ge [sflag:s28], $0x4000  }
0x45: {  	[sflag:s28] =	ssyncset.done $0x0  }
0x46: {  	s11 =	sand.u32 $0x1FC0, s10;
	[sflag:s28] =	ssyncadd.s32 $0xFFFFC000  }
0x47: {  	v63 =	vld [tilespmem:s11+$0x6000];
	_ =	sdelay $0x3  }
0x48: {  	s2 =	simm.s32 $0x10000  }
0x49: {  	[tilespmem:s2+$0x0] =	vst.add.f32.msk $0xffff, v63  }
0x4a: {  	v0 =	vld [tilespmem:s11+$0x6010];
	_ =	sdelay $0x4  }
0x4b: {  	[tilespmem:s2+$0x10] =	vst.add.f32.msk $0xffff, v0  }
0x4c: {  	v0 =	vld [tilespmem:s11+$0x6020];
	_ =	sdelay $0x4  }
0x4d: {  	[tilespmem:s2+$0x20] =	vst.add.f32.msk $0xffff, v0  }
0x4e: {  	v0 =	vld [tilespmem:s11+$0x6030];
	_ =	sdelay $0x3  }
0x4f: {  	s12 =	simm.s32 $0x40  }
0x50: {  	s7 =	simm.s32 $0x80;
	s4 =	sand.u32 $0x1FC0, s12;
	[tilespmem:s2+$0x30] =	vst.add.f32.msk $0xffff, v0  }
.LBB2_4:
0x51: {  	p0 =	sne.s32 s7, $0x1FC0;
	v0 =	vld [tilespmem:s4+$0x6000];
	_ =	sdelay $0x3  }
0x52: {  	s2 =	sadd.s32 $0x80, s2  }
0x53: {  	[tilespmem:s2+$0x0] =	vst.add.f32.msk $0xffff, v0  }
0x54: {  	v0 =	vld [tilespmem:s4+$0x6010];
	_ =	sdelay $0x4  }
0x55: {  	[tilespmem:s2+$0x10] =	vst.add.f32.msk $0xffff, v0  }
0x56: {  	v0 =	vld [tilespmem:s4+$0x6020];
	_ =	sdelay $0x4  }
0x57: {  	[tilespmem:s2+$0x20] =	vst.add.f32.msk $0xffff, v0  }
0x58: {  	v0 =	vld [tilespmem:s4+$0x6030]  }
.Ltmp1:
0x59: {  	(pc) =	sbr.rel @p0 .LBB2_4-.Ltmp1, $2  }
0x5a: {  	_ =	sdelay $0x2  }
0x5b: {  	s4 =	sand.u32 $0x1FC0, s7;
	s7 =	sadd.s32 $0x40, s7;
	[tilespmem:s2+$0x30] =	vst.add.f32.msk $0xffff, v0  }
0x5c: {  	v0 =	vld [tilespmem:s4+$0x6000];
	_ =	sdelay $0x3  }
0x5d: {  	s2 =	sadd.s32 $0x80, s2  }
0x5e: {  	[tilespmem:s2+$0x0] =	vst.add.f32.msk $0xffff, v0  }
0x5f: {  	v0 =	vld [tilespmem:s4+$0x6010];
	_ =	sdelay $0x4  }
0x60: {  	[tilespmem:s2+$0x10] =	vst.add.f32.msk $0xffff, v0  }
0x61: {  	v0 =	vld [tilespmem:s4+$0x6020];
	_ =	sdelay $0x4  }
0x62: {  	[tilespmem:s2+$0x20] =	vst.add.f32.msk $0xffff, v0  }
0x63: {  	v0 =	vld [tilespmem:s4+$0x6030];
	_ =	sdelay $0x4  }
0x64: {  	s7 =	simm.s32 $0x0;
	s9 =	rddreg [dreg:$0x5];
	[tilespmem:s2+$0x30] =	vst.add.f32.msk $0xffff, v0  }
0x65: {  	[hbm4b:s9+s7] =	stream.linear.scatter [tilespmem:s20], [sflag:$0x6], $0x4000, $0x38;
	[tilespmem:$0x1C000] =	vst v63  }
0x66: {  	_ =	swait.ge [sflag:s29], $0x4000  }
0x67: {  	[sflag:s29] =	ssyncset.done $0x0  }
0x68: {  	s10 =	simm.s32 $0x200;
	[sflag:s29] =	ssyncadd.s32 $0xFFFFC000  }
0x69: {  	[tilespmem:s26], [sflag:$0x1] =	stream.indirect.gather [hbm4b:s3+s19], $0x80, s10, s19, $0xb8;
	[tilespmem:$0x1C000] =	vst v63  }
0x6a: {  	_ =	swait.ge [sflag:s31], $0x4000  }
0x6b: {  	[sflag:s31] =	ssyncset.done $0x0  }
0x6c: {  	s11 =	sand.u32 $0x1FC0, s7;
	[sflag:s31] =	ssyncadd.s32 $0xFFFFC000  }
0x6d: {  	v63 =	vld [tilespmem:s11+$0x8000];
	_ =	sdelay $0x3  }
0x6e: {  	s2 =	simm.s32 $0x14000  }
0x6f: {  	[tilespmem:s2+$0x0] =	vst.add.f32.msk $0xffff, v63  }
0x70: {  	v0 =	vld [tilespmem:s11+$0x8010];
	_ =	sdelay $0x4  }
0x71: {  	[tilespmem:s2+$0x10] =	vst.add.f32.msk $0xffff, v0  }
0x72: {  	v0 =	vld [tilespmem:s11+$0x8020];
	_ =	sdelay $0x4  }
0x73: {  	[tilespmem:s2+$0x20] =	vst.add.f32.msk $0xffff, v0  }
0x74: {  	v0 =	vld [tilespmem:s11+$0x8030];
	_ =	sdelay $0x3  }
0x75: {  	s12 =	simm.s32 $0x40  }
0x76: {  	s4 =	sand.u32 $0x1FC0, s12;
	s7 =	simm.s32 $0x80;
	[tilespmem:s2+$0x30] =	vst.add.f32.msk $0xffff, v0  }
.LBB2_6:
0x77: {  	p0 =	sne.s32 s7, $0x1FC0;
	v0 =	vld [tilespmem:s4+$0x8000];
	_ =	sdelay $0x3  }
0x78: {  	s2 =	sadd.s32 $0x80, s2  }
0x79: {  	[tilespmem:s2+$0x0] =	vst.add.f32.msk $0xffff, v0  }
0x7a: {  	v0 =	vld [tilespmem:s4+$0x8010];
	_ =	sdelay $0x4  }
0x7b: {  	[tilespmem:s2+$0x10] =	vst.add.f32.msk $0xffff, v0  }
0x7c: {  	v0 =	vld [tilespmem:s4+$0x8020];
	_ =	sdelay $0x4  }
0x7d: {  	[tilespmem:s2+$0x20] =	vst.add.f32.msk $0xffff, v0  }
0x7e: {  	v0 =	vld [tilespmem:s4+$0x8030]  }
.Ltmp2:
0x7f: {  	(pc) =	sbr.rel @p0 .LBB2_6-.Ltmp2, $2  }
0x80: {  	_ =	sdelay $0x2  }
0x81: {  	s4 =	sand.u32 $0x1FC0, s7;
	s7 =	sadd.s32 $0x40, s7;
	[tilespmem:s2+$0x30] =	vst.add.f32.msk $0xffff, v0  }
0x82: {  	v0 =	vld [tilespmem:s4+$0x8000];
	_ =	sdelay $0x3  }
0x83: {  	s2 =	sadd.s32 $0x80, s2  }
0x84: {  	[tilespmem:s2+$0x0] =	vst.add.f32.msk $0xffff, v0  }
0x85: {  	v0 =	vld [tilespmem:s4+$0x8010];
	_ =	sdelay $0x4  }
0x86: {  	[tilespmem:s2+$0x10] =	vst.add.f32.msk $0xffff, v0  }
0x87: {  	v0 =	vld [tilespmem:s4+$0x8020];
	_ =	sdelay $0x4  }
0x88: {  	[tilespmem:s2+$0x20] =	vst.add.f32.msk $0xffff, v0  }
0x89: {  	v0 =	vld [tilespmem:s4+$0x8030];
	_ =	sdelay $0x4  }
0x8a: {  	s7 =	simm.s32 $0x0;
	s9 =	rddreg [dreg:$0x6];
	[tilespmem:s2+$0x30] =	vst.add.f32.msk $0xffff, v0  }
0x8b: {  	[hbm4b:s9+s7] =	stream.linear.scatter [tilespmem:s22], [sflag:$0x7], $0x4000, $0x38;
	[tilespmem:$0x1C000] =	vst v63  }
0x8c: {  	_ =	swait.ge [sflag:s0], $0x4000  }
0x8d: {  	[sflag:s0] =	ssyncset.done $0x0  }
0x8e: {  	s10 =	simm.s32 $0x280;
	[sflag:s0] =	ssyncadd.s32 $0xFFFFC000  }
0x8f: {  	[tilespmem:s20], [sflag:$0x2] =	stream.indirect.gather [hbm4b:s3+s19], $0x80, s10, s19, $0xb8;
	[tilespmem:$0x1C000] =	vst v63  }
0x90: {  	_ =	swait.ge [sflag:s18], $0x4000  }
0x91: {  	[sflag:s18] =	ssyncset.done $0x0  }
0x92: {  	s11 =	sand.u32 $0x1FC0, s7;
	[sflag:s18] =	ssyncadd.s32 $0xFFFFC000  }
0x93: {  	v63 =	vld [tilespmem:s11+$0xA000];
	_ =	sdelay $0x3  }
0x94: {  	s2 =	simm.s32 $0x18000  }
0x95: {  	[tilespmem:s2+$0x0] =	vst.add.f32.msk $0xffff, v63  }
0x96: {  	v0 =	vld [tilespmem:s11+$0xA010];
	_ =	sdelay $0x4  }
0x97: {  	[tilespmem:s2+$0x10] =	vst.add.f32.msk $0xffff, v0  }
0x98: {  	v0 =	vld [tilespmem:s11+$0xA020];
	_ =	sdelay $0x4  }
0x99: {  	[tilespmem:s2+$0x20] =	vst.add.f32.msk $0xffff, v0  }
0x9a: {  	v0 =	vld [tilespmem:s11+$0xA030];
	_ =	sdelay $0x3  }
0x9b: {  	s12 =	simm.s32 $0x40  }
0x9c: {  	s4 =	sand.u32 $0x1FC0, s12;
	s7 =	simm.s32 $0x80;
	[tilespmem:s2+$0x30] =	vst.add.f32.msk $0xffff, v0  }
.LBB2_8:
0x9d: {  	p0 =	sne.s32 s7, $0x1FC0;
	v0 =	vld [tilespmem:s4+$0xA000];
	_ =	sdelay $0x3  }
0x9e: {  	s2 =	sadd.s32 $0x80, s2  }
0x9f: {  	[tilespmem:s2+$0x0] =	vst.add.f32.msk $0xffff, v0  }
0xa0: {  	v0 =	vld [tilespmem:s4+$0xA010];
	_ =	sdelay $0x4  }
0xa1: {  	[tilespmem:s2+$0x10] =	vst.add.f32.msk $0xffff, v0  }
0xa2: {  	v0 =	vld [tilespmem:s4+$0xA020];
	_ =	sdelay $0x4  }
0xa3: {  	[tilespmem:s2+$0x20] =	vst.add.f32.msk $0xffff, v0  }
0xa4: {  	v0 =	vld [tilespmem:s4+$0xA030]  }
.Ltmp3:
0xa5: {  	(pc) =	sbr.rel @p0 .LBB2_8-.Ltmp3, $2  }
0xa6: {  	_ =	sdelay $0x2  }
0xa7: {  	s4 =	sand.u32 $0x1FC0, s7;
	s7 =	sadd.s32 $0x40, s7;
	[tilespmem:s2+$0x30] =	vst.add.f32.msk $0xffff, v0  }
0xa8: {  	v0 =	vld [tilespmem:s4+$0xA000];
	_ =	sdelay $0x3  }
0xa9: {  	s2 =	sadd.s32 $0x80, s2  }
0xaa: {  	[tilespmem:s2+$0x0] =	vst.add.f32.msk $0xffff, v0  }
0xab: {  	v0 =	vld [tilespmem:s4+$0xA010];
	_ =	sdelay $0x4  }
0xac: {  	[tilespmem:s2+$0x10] =	vst.add.f32.msk $0xffff, v0  }
0xad: {  	v0 =	vld [tilespmem:s4+$0xA020];
	_ =	sdelay $0x4  }
0xae: {  	[tilespmem:s2+$0x20] =	vst.add.f32.msk $0xffff, v0  }
0xaf: {  	v0 =	vld [tilespmem:s4+$0xA030];
	_ =	sdelay $0x4  }
0xb0: {  	s11 =	rddreg [dreg:$0x7];
	[tilespmem:s2+$0x30] =	vst.add.f32.msk $0xffff, v0  }
0xb1: {  	[hbm4b:s11+s1] =	stream.linear.scatter [tilespmem:s24], [sflag:$0x8], $0x4000, $0x38;
	[tilespmem:$0x1C000] =	vst v63  }
0xb2: {  	_ =	swait.ge [sflag:s21], $0x4000  }
0xb3: {  	[sflag:s21] =	ssyncset.done $0x0  }
0xb4: {  	s12 =	simm.s32 $0x300;
	s2 =	simm.s32 $0x1;
	[sflag:s21] =	ssyncadd.s32 $0xFFFFC000  }
0xb5: {  	[tilespmem:s22], [sflag:$0x3] =	stream.indirect.gather [hbm4b:s3+s19], $0x80, s12, s19, $0xb8;
	[tilespmem:$0x1C000] =	vst v63  }
.LBB2_10:
0xb6: {  	_ =	swait.ge [sflag:s25], $0x4000  }
0xb7: {  	s4 =	simm.s32 $0x0;
	[sflag:s25] =	ssyncset.done $0x0  }
0xb8: {  	s7 =	sand.u32 $0x1FC0, s4;
	[sflag:s25] =	ssyncadd.s32 $0xFFFFC000  }
0xb9: {  	v0 =	vld [tilespmem:s7+$0x4000];
	_ =	sdelay $0x3  }
0xba: {  	s4 =	simm.s32 $0xC000  }
0xbb: {  	[tilespmem:s4+$0x0] =	vst.add.f32.msk $0xffff, v0  }
0xbc: {  	v0 =	vld [tilespmem:s7+$0x4010];
	_ =	sdelay $0x4  }
0xbd: {  	[tilespmem:s4+$0x10] =	vst.add.f32.msk $0xffff, v0  }
0xbe: {  	v0 =	vld [tilespmem:s7+$0x4020];
	_ =	sdelay $0x4  }
0xbf: {  	[tilespmem:s4+$0x20] =	vst.add.f32.msk $0xffff, v0  }
0xc0: {  	v0 =	vld [tilespmem:s7+$0x4030];
	_ =	sdelay $0x3  }
0xc1: {  	s12 =	simm.s32 $0x40  }
0xc2: {  	s9 =	simm.s32 $0x80;
	s7 =	sand.u32 $0x1FC0, s12;
	[tilespmem:s4+$0x30] =	vst.add.f32.msk $0xffff, v0  }
.LBB2_11:
0xc3: {  	p0 =	sne.s32 s9, $0x1FC0;
	v0 =	vld [tilespmem:s7+$0x4000];
	_ =	sdelay $0x3  }
0xc4: {  	s4 =	sadd.s32 $0x80, s4  }
0xc5: {  	[tilespmem:s4+$0x0] =	vst.add.f32.msk $0xffff, v0  }
0xc6: {  	v0 =	vld [tilespmem:s7+$0x4010];
	_ =	sdelay $0x4  }
0xc7: {  	[tilespmem:s4+$0x10] =	vst.add.f32.msk $0xffff, v0  }
0xc8: {  	v0 =	vld [tilespmem:s7+$0x4020];
	_ =	sdelay $0x4  }
0xc9: {  	[tilespmem:s4+$0x20] =	vst.add.f32.msk $0xffff, v0  }
0xca: {  	v0 =	vld [tilespmem:s7+$0x4030]  }
.Ltmp4:
0xcb: {  	(pc) =	sbr.rel @p0 .LBB2_11-.Ltmp4, $2  }
0xcc: {  	_ =	sdelay $0x2  }
0xcd: {  	s7 =	sand.u32 $0x1FC0, s9;
	s9 =	sadd.s32 $0x40, s9;
	[tilespmem:s4+$0x30] =	vst.add.f32.msk $0xffff, v0  }
0xce: {  	v0 =	vld [tilespmem:s7+$0x4000];
	_ =	sdelay $0x3  }
0xcf: {  	s4 =	sadd.s32 $0x80, s4  }
0xd0: {  	[tilespmem:s4+$0x0] =	vst.add.f32.msk $0xffff, v0  }
0xd1: {  	v0 =	vld [tilespmem:s7+$0x4010];
	_ =	sdelay $0x4  }
0xd2: {  	[tilespmem:s4+$0x10] =	vst.add.f32.msk $0xffff, v0  }
0xd3: {  	v0 =	vld [tilespmem:s7+$0x4020];
	_ =	sdelay $0x4  }
0xd4: {  	[tilespmem:s4+$0x20] =	vst.add.f32.msk $0xffff, v0  }
0xd5: {  	v0 =	vld [tilespmem:s7+$0x4030];
	_ =	sdelay $0x3  }
0xd6: {  	s10 =	sshll.u32 s2, $0xD  }
0xd7: {  	s9 =	simm.s32 $0x0;
	s11 =	sadd.s32 s10, s8;
	[tilespmem:s4+$0x30] =	vst.add.f32.msk $0xffff, v0  }
0xd8: {  	[hbm4b:s11+s9] =	stream.linear.scatter [tilespmem:s26], [sflag:$0x5], $0x4000, $0x38;
	[tilespmem:$0x1C000] =	vst v63  }
0xd9: {  	_ =	swait.ge [sflag:s30], $0x4000  }
0xda: {  	s7 =	sshll.u32 s2, $0x9;
	[sflag:s30] =	ssyncset.done $0x0  }
0xdb: {  	s4 =	sor.u32 $0x180, s7;
	[sflag:s30] =	ssyncadd.s32 $0xFFFFC000  }
0xdc: {  	[tilespmem:s24], [sflag:$0x4] =	stream.indirect.gather [hbm4b:s3+s19], $0x80, s4, s19, $0xb8;
	[tilespmem:$0x1C000] =	vst v63  }
0xdd: {  	_ =	swait.ge [sflag:s28], $0x4000  }
0xde: {  	[sflag:s28] =	ssyncset.done $0x0  }
0xdf: {  	s10 =	sand.u32 $0x1FC0, s9;
	[sflag:s28] =	ssyncadd.s32 $0xFFFFC000  }
0xe0: {  	v63 =	vld [tilespmem:s10+$0x6000];
	_ =	sdelay $0x3  }
0xe1: {  	s9 =	simm.s32 $0x10000  }
0xe2: {  	[tilespmem:s9+$0x0] =	vst.add.f32.msk $0xffff, v63  }
0xe3: {  	v0 =	vld [tilespmem:s10+$0x6010];
	_ =	sdelay $0x4  }
0xe4: {  	[tilespmem:s9+$0x10] =	vst.add.f32.msk $0xffff, v0  }
0xe5: {  	v0 =	vld [tilespmem:s10+$0x6020];
	_ =	sdelay $0x4  }
0xe6: {  	[tilespmem:s9+$0x20] =	vst.add.f32.msk $0xffff, v0  }
0xe7: {  	v0 =	vld [tilespmem:s10+$0x6030];
	_ =	sdelay $0x3  }
0xe8: {  	s12 =	simm.s32 $0x40  }
0xe9: {  	s11 =	simm.s32 $0x80;
	s10 =	sand.u32 $0x1FC0, s12;
	[tilespmem:s9+$0x30] =	vst.add.f32.msk $0xffff, v0  }
.LBB2_13:
0xea: {  	p0 =	sne.s32 s11, $0x1FC0;
	v0 =	vld [tilespmem:s10+$0x6000];
	_ =	sdelay $0x3  }
0xeb: {  	s9 =	sadd.s32 $0x80, s9  }
0xec: {  	[tilespmem:s9+$0x0] =	vst.add.f32.msk $0xffff, v0  }
0xed: {  	v0 =	vld [tilespmem:s10+$0x6010];
	_ =	sdelay $0x4  }
0xee: {  	[tilespmem:s9+$0x10] =	vst.add.f32.msk $0xffff, v0  }
0xef: {  	v0 =	vld [tilespmem:s10+$0x6020];
	_ =	sdelay $0x4  }
0xf0: {  	[tilespmem:s9+$0x20] =	vst.add.f32.msk $0xffff, v0  }
0xf1: {  	v0 =	vld [tilespmem:s10+$0x6030]  }
.Ltmp5:
0xf2: {  	(pc) =	sbr.rel @p0 .LBB2_13-.Ltmp5, $2  }
0xf3: {  	_ =	sdelay $0x2  }
0xf4: {  	s10 =	sand.u32 $0x1FC0, s11;
	s11 =	sadd.s32 $0x40, s11;
	[tilespmem:s9+$0x30] =	vst.add.f32.msk $0xffff, v0  }
0xf5: {  	v0 =	vld [tilespmem:s10+$0x6000];
	_ =	sdelay $0x3  }
0xf6: {  	s11 =	sadd.s32 $0x80, s9  }
0xf7: {  	[tilespmem:s11+$0x0] =	vst.add.f32.msk $0xffff, v0  }
0xf8: {  	v0 =	vld [tilespmem:s10+$0x6010];
	_ =	sdelay $0x4  }
0xf9: {  	[tilespmem:s11+$0x10] =	vst.add.f32.msk $0xffff, v0  }
0xfa: {  	v0 =	vld [tilespmem:s10+$0x6020];
	_ =	sdelay $0x4  }
0xfb: {  	[tilespmem:s11+$0x20] =	vst.add.f32.msk $0xffff, v0  }
0xfc: {  	v0 =	vld [tilespmem:s10+$0x6030];
	_ =	sdelay $0x1  }
0xfd: {  	s10 =	sadd.s32 s7, s6  }
0xfe: {  	s9 =	sshll.u32 s10, $0x4  }
0xff: {  	s9 =	sadd.s32 s5, s9  }
0x100: {  	s12 =	sadd.s32 $0x800, s9;
	[tilespmem:s11+$0x30] =	vst.add.f32.msk $0xffff, v0;
	s11 =	simm.s32 $0x0  }
0x101: {  	[hbm4b:s12+s11] =	stream.linear.scatter [tilespmem:s20], [sflag:$0x6], $0x4000, $0x38;
	[tilespmem:$0x1C000] =	vst v63  }
0x102: {  	_ =	swait.ge [sflag:s29], $0x4000  }
0x103: {  	s7 =	sand.u32 $0x3FFFFE00, s7;
	[sflag:s29] =	ssyncset.done $0x0  }
0x104: {  	s12 =	sadd.s32 $0x200, s7;
	[sflag:s29] =	ssyncadd.s32 $0xFFFFC000  }
0x105: {  	[tilespmem:s26], [sflag:$0x1] =	stream.indirect.gather [hbm4b:s3+s19], $0x80, s12, s19, $0xb8;
	[tilespmem:$0x1C000] =	vst v63  }
0x106: {  	_ =	swait.ge [sflag:s31], $0x4000  }
0x107: {  	[sflag:s31] =	ssyncset.done $0x0  }
0x108: {  	s11 =	sand.u32 $0x1FC0, s11;
	[sflag:s31] =	ssyncadd.s32 $0xFFFFC000  }
0x109: {  	v63 =	vld [tilespmem:s11+$0x8000];
	_ =	sdelay $0x3  }
0x10a: {  	s10 =	simm.s32 $0x14000  }
0x10b: {  	[tilespmem:s10+$0x0] =	vst.add.f32.msk $0xffff, v63  }
0x10c: {  	v0 =	vld [tilespmem:s11+$0x8010];
	_ =	sdelay $0x4  }
0x10d: {  	[tilespmem:s10+$0x10] =	vst.add.f32.msk $0xffff, v0  }
0x10e: {  	v0 =	vld [tilespmem:s11+$0x8020];
	_ =	sdelay $0x4  }
0x10f: {  	[tilespmem:s10+$0x20] =	vst.add.f32.msk $0xffff, v0  }
0x110: {  	v0 =	vld [tilespmem:s11+$0x8030];
	_ =	sdelay $0x3  }
0x111: {  	s12 =	simm.s32 $0x40  }
0x112: {  	s11 =	sand.u32 $0x1FC0, s12;
	s12 =	simm.s32 $0x80;
	[tilespmem:s10+$0x30] =	vst.add.f32.msk $0xffff, v0  }
.LBB2_15:
0x113: {  	p0 =	sne.s32 s12, $0x1FC0;
	v0 =	vld [tilespmem:s11+$0x8000];
	_ =	sdelay $0x3  }
0x114: {  	s10 =	sadd.s32 $0x80, s10  }
0x115: {  	[tilespmem:s10+$0x0] =	vst.add.f32.msk $0xffff, v0  }
0x116: {  	v0 =	vld [tilespmem:s11+$0x8010];
	_ =	sdelay $0x4  }
0x117: {  	[tilespmem:s10+$0x10] =	vst.add.f32.msk $0xffff, v0  }
0x118: {  	v0 =	vld [tilespmem:s11+$0x8020];
	_ =	sdelay $0x4  }
0x119: {  	[tilespmem:s10+$0x20] =	vst.add.f32.msk $0xffff, v0  }
0x11a: {  	v0 =	vld [tilespmem:s11+$0x8030]  }
.Ltmp6:
0x11b: {  	(pc) =	sbr.rel @p0 .LBB2_15-.Ltmp6, $2  }
0x11c: {  	_ =	sdelay $0x2  }
0x11d: {  	s11 =	sand.u32 $0x1FC0, s12;
	s12 =	sadd.s32 $0x40, s12;
	[tilespmem:s10+$0x30] =	vst.add.f32.msk $0xffff, v0  }
0x11e: {  	v0 =	vld [tilespmem:s11+$0x8000];
	_ =	sdelay $0x3  }
0x11f: {  	s10 =	sadd.s32 $0x80, s10  }
0x120: {  	[tilespmem:s10+$0x0] =	vst.add.f32.msk $0xffff, v0  }
0x121: {  	v0 =	vld [tilespmem:s11+$0x8010];
	_ =	sdelay $0x4  }
0x122: {  	[tilespmem:s10+$0x10] =	vst.add.f32.msk $0xffff, v0  }
0x123: {  	v0 =	vld [tilespmem:s11+$0x8020];
	_ =	sdelay $0x4  }
0x124: {  	[tilespmem:s10+$0x20] =	vst.add.f32.msk $0xffff, v0  }
0x125: {  	v0 =	vld [tilespmem:s11+$0x8030];
	_ =	sdelay $0x4  }
0x126: {  	s9 =	sadd.s32 $0x1000, s9;
	s12 =	simm.s32 $0x0;
	[tilespmem:s10+$0x30] =	vst.add.f32.msk $0xffff, v0  }
0x127: {  	[hbm4b:s9+s12] =	stream.linear.scatter [tilespmem:s22], [sflag:$0x7], $0x4000, $0x38;
	[tilespmem:$0x1C000] =	vst v63  }
0x128: {  	_ =	swait.ge [sflag:s0], $0x4000  }
0x129: {  	[sflag:s0] =	ssyncset.done $0x0  }
0x12a: {  	s11 =	sadd.s32 $0x280, s7;
	[sflag:s0] =	ssyncadd.s32 $0xFFFFC000  }
0x12b: {  	[tilespmem:s20], [sflag:$0x2] =	stream.indirect.gather [hbm4b:s3+s19], $0x80, s11, s19, $0xb8;
	[tilespmem:$0x1C000] =	vst v63  }
0x12c: {  	_ =	swait.ge [sflag:s18], $0x4000  }
0x12d: {  	[sflag:s18] =	ssyncset.done $0x0  }
0x12e: {  	s10 =	sand.u32 $0x1FC0, s12;
	[sflag:s18] =	ssyncadd.s32 $0xFFFFC000  }
0x12f: {  	v63 =	vld [tilespmem:s10+$0xA000];
	_ =	sdelay $0x3  }
0x130: {  	s9 =	simm.s32 $0x18000  }
0x131: {  	[tilespmem:s9+$0x0] =	vst.add.f32.msk $0xffff, v63  }
0x132: {  	v0 =	vld [tilespmem:s10+$0xA010];
	_ =	sdelay $0x4  }
0x133: {  	[tilespmem:s9+$0x10] =	vst.add.f32.msk $0xffff, v0  }
0x134: {  	v0 =	vld [tilespmem:s10+$0xA020];
	_ =	sdelay $0x4  }
0x135: {  	[tilespmem:s9+$0x20] =	vst.add.f32.msk $0xffff, v0  }
0x136: {  	v0 =	vld [tilespmem:s10+$0xA030];
	_ =	sdelay $0x3  }
0x137: {  	s12 =	simm.s32 $0x40  }
0x138: {  	s11 =	simm.s32 $0x80;
	s10 =	sand.u32 $0x1FC0, s12;
	[tilespmem:s9+$0x30] =	vst.add.f32.msk $0xffff, v0  }
.LBB2_17:
0x139: {  	p0 =	sne.s32 s11, $0x1FC0;
	v0 =	vld [tilespmem:s10+$0xA000];
	_ =	sdelay $0x3  }
0x13a: {  	s9 =	sadd.s32 $0x80, s9  }
0x13b: {  	[tilespmem:s9+$0x0] =	vst.add.f32.msk $0xffff, v0  }
0x13c: {  	v0 =	vld [tilespmem:s10+$0xA010];
	_ =	sdelay $0x4  }
0x13d: {  	[tilespmem:s9+$0x10] =	vst.add.f32.msk $0xffff, v0  }
0x13e: {  	v0 =	vld [tilespmem:s10+$0xA020];
	_ =	sdelay $0x4  }
0x13f: {  	[tilespmem:s9+$0x20] =	vst.add.f32.msk $0xffff, v0  }
0x140: {  	v0 =	vld [tilespmem:s10+$0xA030]  }
.Ltmp7:
0x141: {  	(pc) =	sbr.rel @p0 .LBB2_17-.Ltmp7, $2  }
0x142: {  	_ =	sdelay $0x2  }
0x143: {  	s10 =	sand.u32 $0x1FC0, s11;
	s11 =	sadd.s32 $0x40, s11;
	[tilespmem:s9+$0x30] =	vst.add.f32.msk $0xffff, v0  }
0x144: {  	v0 =	vld [tilespmem:s10+$0xA000];
	_ =	sdelay $0x3  }
0x145: {  	s9 =	sadd.s32 $0x80, s9  }
0x146: {  	[tilespmem:s9+$0x0] =	vst.add.f32.msk $0xffff, v0  }
0x147: {  	v0 =	vld [tilespmem:s10+$0xA010];
	_ =	sdelay $0x4  }
0x148: {  	[tilespmem:s9+$0x10] =	vst.add.f32.msk $0xffff, v0  }
0x149: {  	v0 =	vld [tilespmem:s10+$0xA020];
	_ =	sdelay $0x4  }
0x14a: {  	[tilespmem:s9+$0x20] =	vst.add.f32.msk $0xffff, v0  }
0x14b: {  	v0 =	vld [tilespmem:s10+$0xA030];
	_ =	sdelay $0x2  }
0x14c: {  	s4 =	sadd.s32 s6, s4  }
0x14d: {  	s2 =	sadd.s32 $0x1, s2;
	s4 =	sshll.u32 s4, $0x4  }
0x14e: {  	p0 =	sne.s32 s2, $0x1F;
	s4 =	sadd.s32 s5, s4;
	[tilespmem:s9+$0x30] =	vst.add.f32.msk $0xffff, v0  }
0x14f: {  	[hbm4b:s4+s1] =	stream.linear.scatter [tilespmem:s24], [sflag:$0x8], $0x4000, $0x38;
	[tilespmem:$0x1C000] =	vst v63  }
.Ltmp8:
0x150: {  	_ = 	snop;
	(pc) =	sbr.rel @p0 .LBB2_10-.Ltmp8, $4  }
0x151: {  	_ =	swait.ge [sflag:s21], $0x4000  }
0x152: {  	[sflag:s21] =	ssyncset.done $0x0  }
0x153: {  	s12 =	sadd.s32 $0x300, s7;
	[sflag:s21] =	ssyncadd.s32 $0xFFFFC000  }
0x154: {  	[tilespmem:s22], [sflag:$0x3] =	stream.indirect.gather [hbm4b:s3+s19], $0x80, s12, s19, $0xb8;
	[tilespmem:$0x1C000] =	vst v63  }
0x155: {  	_ =	swait.ge [sflag:s25], $0x4000  }
0x156: {  	s2 =	simm.s32 $0x0;
	[sflag:s25] =	ssyncset.done $0x0  }
0x157: {  	s4 =	sand.u32 $0x1FC0, s2;
	[sflag:s25] =	ssyncadd.s32 $0xFFFFC000  }
0x158: {  	v0 =	vld [tilespmem:s4+$0x4000];
	_ =	sdelay $0x3  }
0x159: {  	s2 =	simm.s32 $0xC000  }
0x15a: {  	[tilespmem:s2+$0x0] =	vst.add.f32.msk $0xffff, v0  }
0x15b: {  	v0 =	vld [tilespmem:s4+$0x4010];
	_ =	sdelay $0x4  }
0x15c: {  	[tilespmem:s2+$0x10] =	vst.add.f32.msk $0xffff, v0  }
0x15d: {  	v0 =	vld [tilespmem:s4+$0x4020];
	_ =	sdelay $0x4  }
0x15e: {  	[tilespmem:s2+$0x20] =	vst.add.f32.msk $0xffff, v0  }
0x15f: {  	v0 =	vld [tilespmem:s4+$0x4030];
	_ =	sdelay $0x3  }
0x160: {  	s12 =	simm.s32 $0x40  }
0x161: {  	s7 =	simm.s32 $0x80;
	s4 =	sand.u32 $0x1FC0, s12;
	[tilespmem:s2+$0x30] =	vst.add.f32.msk $0xffff, v0  }
.LBB2_20:
0x162: {  	p0 =	sne.s32 s7, $0x1FC0;
	v0 =	vld [tilespmem:s4+$0x4000];
	_ =	sdelay $0x3  }
0x163: {  	s2 =	sadd.s32 $0x80, s2  }
0x164: {  	[tilespmem:s2+$0x0] =	vst.add.f32.msk $0xffff, v0  }
0x165: {  	v0 =	vld [tilespmem:s4+$0x4010];
	_ =	sdelay $0x4  }
0x166: {  	[tilespmem:s2+$0x10] =	vst.add.f32.msk $0xffff, v0  }
0x167: {  	v0 =	vld [tilespmem:s4+$0x4020];
	_ =	sdelay $0x4  }
0x168: {  	[tilespmem:s2+$0x20] =	vst.add.f32.msk $0xffff, v0  }
0x169: {  	v0 =	vld [tilespmem:s4+$0x4030]  }
.Ltmp9:
0x16a: {  	(pc) =	sbr.rel @p0 .LBB2_20-.Ltmp9, $2  }
0x16b: {  	_ =	sdelay $0x2  }
0x16c: {  	s4 =	sand.u32 $0x1FC0, s7;
	s7 =	sadd.s32 $0x40, s7;
	[tilespmem:s2+$0x30] =	vst.add.f32.msk $0xffff, v0  }
0x16d: {  	v0 =	vld [tilespmem:s4+$0x4000];
	_ =	sdelay $0x3  }
0x16e: {  	s2 =	sadd.s32 $0x80, s2  }
0x16f: {  	[tilespmem:s2+$0x0] =	vst.add.f32.msk $0xffff, v0  }
0x170: {  	v0 =	vld [tilespmem:s4+$0x4010];
	_ =	sdelay $0x4  }
0x171: {  	[tilespmem:s2+$0x10] =	vst.add.f32.msk $0xffff, v0  }
0x172: {  	v0 =	vld [tilespmem:s4+$0x4020];
	_ =	sdelay $0x4  }
0x173: {  	[tilespmem:s2+$0x20] =	vst.add.f32.msk $0xffff, v0  }
0x174: {  	v0 =	vld [tilespmem:s4+$0x4030];
	_ =	sdelay $0x4  }
0x175: {  	s7 =	simm.s32 $0x0;
	s9 =	rddreg [dreg:$0x8];
	[tilespmem:s2+$0x30] =	vst.add.f32.msk $0xffff, v0  }
0x176: {  	[hbm4b:s9+s7] =	stream.linear.scatter [tilespmem:s26], [sflag:$0x5], $0x4000, $0x38;
	[tilespmem:$0x1C000] =	vst v63  }
0x177: {  	_ =	swait.ge [sflag:s30], $0x4000  }
0x178: {  	[sflag:s30] =	ssyncset.done $0x0  }
0x179: {  	s10 =	simm.s32 $0x3F80;
	[sflag:s30] =	ssyncadd.s32 $0xFFFFC000  }
0x17a: {  	[tilespmem:s24], [sflag:$0x4] =	stream.indirect.gather [hbm4b:s3+s19], $0x80, s10, s19, $0xb8;
	[tilespmem:$0x1C000] =	vst v63  }
0x17b: {  	_ =	swait.ge [sflag:s28], $0x4000  }
0x17c: {  	[sflag:s28] =	ssyncset.done $0x0  }
0x17d: {  	s11 =	sand.u32 $0x1FC0, s7;
	[sflag:s28] =	ssyncadd.s32 $0xFFFFC000  }
0x17e: {  	v63 =	vld [tilespmem:s11+$0x6000];
	_ =	sdelay $0x3  }
0x17f: {  	s2 =	simm.s32 $0x10000  }
0x180: {  	[tilespmem:s2+$0x0] =	vst.add.f32.msk $0xffff, v63  }
0x181: {  	v0 =	vld [tilespmem:s11+$0x6010];
	_ =	sdelay $0x4  }
0x182: {  	[tilespmem:s2+$0x10] =	vst.add.f32.msk $0xffff, v0  }
0x183: {  	v0 =	vld [tilespmem:s11+$0x6020];
	_ =	sdelay $0x4  }
0x184: {  	[tilespmem:s2+$0x20] =	vst.add.f32.msk $0xffff, v0  }
0x185: {  	v0 =	vld [tilespmem:s11+$0x6030];
	_ =	sdelay $0x3  }
0x186: {  	s12 =	simm.s32 $0x40  }
0x187: {  	s4 =	sand.u32 $0x1FC0, s12;
	s7 =	simm.s32 $0x80;
	[tilespmem:s2+$0x30] =	vst.add.f32.msk $0xffff, v0  }
.LBB2_22:
0x188: {  	p0 =	sne.s32 s7, $0x1FC0;
	v0 =	vld [tilespmem:s4+$0x6000];
	_ =	sdelay $0x3  }
0x189: {  	s2 =	sadd.s32 $0x80, s2  }
0x18a: {  	[tilespmem:s2+$0x0] =	vst.add.f32.msk $0xffff, v0  }
0x18b: {  	v0 =	vld [tilespmem:s4+$0x6010];
	_ =	sdelay $0x4  }
0x18c: {  	[tilespmem:s2+$0x10] =	vst.add.f32.msk $0xffff, v0  }
0x18d: {  	v0 =	vld [tilespmem:s4+$0x6020];
	_ =	sdelay $0x4  }
0x18e: {  	[tilespmem:s2+$0x20] =	vst.add.f32.msk $0xffff, v0  }
0x18f: {  	v0 =	vld [tilespmem:s4+$0x6030]  }
.Ltmp10:
0x190: {  	(pc) =	sbr.rel @p0 .LBB2_22-.Ltmp10, $2  }
0x191: {  	_ =	sdelay $0x2  }
0x192: {  	s4 =	sand.u32 $0x1FC0, s7;
	s7 =	sadd.s32 $0x40, s7;
	[tilespmem:s2+$0x30] =	vst.add.f32.msk $0xffff, v0  }
0x193: {  	v0 =	vld [tilespmem:s4+$0x6000];
	_ =	sdelay $0x3  }
0x194: {  	s2 =	sadd.s32 $0x80, s2  }
0x195: {  	[tilespmem:s2+$0x0] =	vst.add.f32.msk $0xffff, v0  }
0x196: {  	v0 =	vld [tilespmem:s4+$0x6010];
	_ =	sdelay $0x4  }
0x197: {  	[tilespmem:s2+$0x10] =	vst.add.f32.msk $0xffff, v0  }
0x198: {  	v0 =	vld [tilespmem:s4+$0x6020];
	_ =	sdelay $0x4  }
0x199: {  	[tilespmem:s2+$0x20] =	vst.add.f32.msk $0xffff, v0  }
0x19a: {  	v0 =	vld [tilespmem:s4+$0x6030];
	_ =	sdelay $0x4  }
0x19b: {  	s10 =	simm.s32 $0x0;
	[tilespmem:s2+$0x30] =	vst.add.f32.msk $0xffff, v0  }
0x19c: {  	[hbm4b:s13+s10] =	stream.linear.scatter [tilespmem:s20], [sflag:$0x6], $0x4000, $0x38;
	[tilespmem:$0x1C000] =	vst v63  }
0x19d: {  	_ =	swait.ge [sflag:s29], $0x4000  }
0x19e: {  	[sflag:s29] =	ssyncset.done $0x0  }
0x19f: {  	[sflag:s29] =	ssyncadd.s32 $0xFFFFC000  }
0x1a0: {  	_ =	swait.ge [sflag:s31], $0x4000  }
0x1a1: {  	[sflag:s31] =	ssyncset.done $0x0  }
0x1a2: {  	s11 =	sand.u32 $0x1FC0, s10;
	[sflag:s31] =	ssyncadd.s32 $0xFFFFC000  }
0x1a3: {  	v63 =	vld [tilespmem:s11+$0x8000];
	_ =	sdelay $0x3  }
0x1a4: {  	s2 =	simm.s32 $0x14000  }
0x1a5: {  	[tilespmem:s2+$0x0] =	vst.add.f32.msk $0xffff, v63  }
0x1a6: {  	v0 =	vld [tilespmem:s11+$0x8010];
	_ =	sdelay $0x4  }
0x1a7: {  	[tilespmem:s2+$0x10] =	vst.add.f32.msk $0xffff, v0  }
0x1a8: {  	v0 =	vld [tilespmem:s11+$0x8020];
	_ =	sdelay $0x4  }
0x1a9: {  	[tilespmem:s2+$0x20] =	vst.add.f32.msk $0xffff, v0  }
0x1aa: {  	v0 =	vld [tilespmem:s11+$0x8030];
	_ =	sdelay $0x3  }
0x1ab: {  	s12 =	simm.s32 $0x40  }
0x1ac: {  	s7 =	simm.s32 $0x80;
	s4 =	sand.u32 $0x1FC0, s12;
	[tilespmem:s2+$0x30] =	vst.add.f32.msk $0xffff, v0  }
.LBB2_24:
0x1ad: {  	p0 =	sne.s32 s7, $0x1FC0;
	v0 =	vld [tilespmem:s4+$0x8000];
	_ =	sdelay $0x3  }
0x1ae: {  	s2 =	sadd.s32 $0x80, s2  }
0x1af: {  	[tilespmem:s2+$0x0] =	vst.add.f32.msk $0xffff, v0  }
0x1b0: {  	v0 =	vld [tilespmem:s4+$0x8010];
	_ =	sdelay $0x4  }
0x1b1: {  	[tilespmem:s2+$0x10] =	vst.add.f32.msk $0xffff, v0  }
0x1b2: {  	v0 =	vld [tilespmem:s4+$0x8020];
	_ =	sdelay $0x4  }
0x1b3: {  	[tilespmem:s2+$0x20] =	vst.add.f32.msk $0xffff, v0  }
0x1b4: {  	v0 =	vld [tilespmem:s4+$0x8030]  }
.Ltmp11:
0x1b5: {  	(pc) =	sbr.rel @p0 .LBB2_24-.Ltmp11, $2  }
0x1b6: {  	_ =	sdelay $0x2  }
0x1b7: {  	s4 =	sand.u32 $0x1FC0, s7;
	s7 =	sadd.s32 $0x40, s7;
	[tilespmem:s2+$0x30] =	vst.add.f32.msk $0xffff, v0  }
0x1b8: {  	v0 =	vld [tilespmem:s4+$0x8000];
	_ =	sdelay $0x3  }
0x1b9: {  	s2 =	sadd.s32 $0x80, s2  }
0x1ba: {  	[tilespmem:s2+$0x0] =	vst.add.f32.msk $0xffff, v0  }
0x1bb: {  	v0 =	vld [tilespmem:s4+$0x8010];
	_ =	sdelay $0x4  }
0x1bc: {  	[tilespmem:s2+$0x10] =	vst.add.f32.msk $0xffff, v0  }
0x1bd: {  	v0 =	vld [tilespmem:s4+$0x8020];
	_ =	sdelay $0x4  }
0x1be: {  	[tilespmem:s2+$0x20] =	vst.add.f32.msk $0xffff, v0  }
0x1bf: {  	v0 =	vld [tilespmem:s4+$0x8030];
	_ =	sdelay $0x4  }
0x1c0: {  	s10 =	simm.s32 $0x0;
	[tilespmem:s2+$0x30] =	vst.add.f32.msk $0xffff, v0  }
0x1c1: {  	[hbm4b:s14+s10] =	stream.linear.scatter [tilespmem:s22], [sflag:$0x7], $0x4000, $0x38;
	[tilespmem:$0x1C000] =	vst v63  }
0x1c2: {  	_ =	swait.ge [sflag:s0], $0x4000  }
0x1c3: {  	[sflag:s0] =	ssyncset.done $0x0  }
0x1c4: {  	[sflag:s0] =	ssyncadd.s32 $0xFFFFC000  }
0x1c5: {  	_ =	swait.ge [sflag:s18], $0x4000  }
0x1c6: {  	[sflag:s18] =	ssyncset.done $0x0  }
0x1c7: {  	s11 =	sand.u32 $0x1FC0, s10;
	[sflag:s18] =	ssyncadd.s32 $0xFFFFC000  }
0x1c8: {  	v63 =	vld [tilespmem:s11+$0xA000];
	_ =	sdelay $0x3  }
0x1c9: {  	s2 =	simm.s32 $0x18000  }
0x1ca: {  	[tilespmem:s2+$0x0] =	vst.add.f32.msk $0xffff, v63  }
0x1cb: {  	v0 =	vld [tilespmem:s11+$0xA010];
	_ =	sdelay $0x4  }
0x1cc: {  	[tilespmem:s2+$0x10] =	vst.add.f32.msk $0xffff, v0  }
0x1cd: {  	v0 =	vld [tilespmem:s11+$0xA020];
	_ =	sdelay $0x4  }
0x1ce: {  	[tilespmem:s2+$0x20] =	vst.add.f32.msk $0xffff, v0  }
0x1cf: {  	v0 =	vld [tilespmem:s11+$0xA030];
	_ =	sdelay $0x3  }
0x1d0: {  	s12 =	simm.s32 $0x40  }
0x1d1: {  	s7 =	simm.s32 $0x80;
	s4 =	sand.u32 $0x1FC0, s12;
	[tilespmem:s2+$0x30] =	vst.add.f32.msk $0xffff, v0  }
.LBB2_26:
0x1d2: {  	p0 =	sne.s32 s7, $0x1FC0;
	v0 =	vld [tilespmem:s4+$0xA000];
	_ =	sdelay $0x3  }
0x1d3: {  	s2 =	sadd.s32 $0x80, s2  }
0x1d4: {  	[tilespmem:s2+$0x0] =	vst.add.f32.msk $0xffff, v0  }
0x1d5: {  	v0 =	vld [tilespmem:s4+$0xA010];
	_ =	sdelay $0x4  }
0x1d6: {  	[tilespmem:s2+$0x10] =	vst.add.f32.msk $0xffff, v0  }
0x1d7: {  	v0 =	vld [tilespmem:s4+$0xA020];
	_ =	sdelay $0x4  }
0x1d8: {  	[tilespmem:s2+$0x20] =	vst.add.f32.msk $0xffff, v0  }
0x1d9: {  	v0 =	vld [tilespmem:s4+$0xA030]  }
.Ltmp12:
0x1da: {  	(pc) =	sbr.rel @p0 .LBB2_26-.Ltmp12, $2  }
0x1db: {  	_ =	sdelay $0x2  }
0x1dc: {  	s4 =	sand.u32 $0x1FC0, s7;
	s7 =	sadd.s32 $0x40, s7;
	[tilespmem:s2+$0x30] =	vst.add.f32.msk $0xffff, v0  }
0x1dd: {  	v0 =	vld [tilespmem:s4+$0xA000];
	_ =	sdelay $0x3  }
0x1de: {  	s2 =	sadd.s32 $0x80, s2  }
0x1df: {  	[tilespmem:s2+$0x0] =	vst.add.f32.msk $0xffff, v0  }
0x1e0: {  	v0 =	vld [tilespmem:s4+$0xA010];
	_ =	sdelay $0x4  }
0x1e1: {  	[tilespmem:s2+$0x10] =	vst.add.f32.msk $0xffff, v0  }
0x1e2: {  	v0 =	vld [tilespmem:s4+$0xA020];
	_ =	sdelay $0x4  }
0x1e3: {  	[tilespmem:s2+$0x20] =	vst.add.f32.msk $0xffff, v0  }
0x1e4: {  	v0 =	vld [tilespmem:s4+$0xA030];
	_ =	sdelay $0x4  }
0x1e5: {  	s23 =	sadd.s32 $0x1, s23;
	[tilespmem:s2+$0x30] =	vst.add.f32.msk $0xffff, v0  }
0x1e6: {  	[hbm4b:s15+s1] =	stream.linear.scatter [tilespmem:s24], [sflag:$0x8], $0x4000, $0x38;
	[tilespmem:$0x1C000] =	vst v63  }
0x1e7: {  	p0 =	sne.s32 s23, s16;
	_ =	swait.ge [sflag:s21], $0x4000  }
.Ltmp13:
0x1e8: {  	[sflag:s21] =	ssyncset.done $0x0;
	(pc) =	sbr.rel @p0 .LBB2_1-.Ltmp13, $4  }
0x1e9: {  	[sflag:s21] =	ssyncadd.s32 $0xFFFFC000  }
0x1ea: {  	_ =	swait.ge [sflag:s30], $0x4000  }
0x1eb: {  	[sflag:s30] =	ssyncset.done $0x0  }
0x1ec: {  	[sflag:s30] =	ssyncadd.s32 $0xFFFFC000  }
0x1ed: {  	_ =	sfence.sel $0x180000  }
0x1ee: {  	[bflag:$0x0] =	sbarrier.arrive $0xFFFF  }
0x1ef: {  	_ =	strace $0x90000047  }
0x1f0: {  	s0 =	stileid.u32;
	[bflag:$0x2] =	sbarrier.arrive $0xFFFF  }
0x1f1: {  	p0 =	sne.s32 s0, $0x0;
	s0 =	rddreg [dreg:$0x2]  }
0x1f2: {  	s0 =	sadd.s32 @!p0 $0x100000, s0  }
0x1f3: {  	[sflag:s0] =	ssyncadd.tile.s32 @!p0 $0x1;
	_ =	shalt  }
.Lfunc_end2:
_tile_overlayer_lowered:
.L_overlay_start_2:
0x1f4: {  	(tag) =	ssettag $0x2  }
0x1f5: {  	s0 =	rddreg [dreg:$0x0];
	s2 =	stileid.u32  }
0x1f6: {  	s1 =	rddreg [dreg:$0x1];
	p0 =	sne.s32 s2, $0x0  }
0x1f7: {  	s3 =	rddreg [dreg:$0x2];
	[bflag:$0x3] =	sbarrier.arrive $0xFFFF;
	s2 =	simm.s32 @!p0 $0x1C09  }
0x1f8: {  	[timem:s3], [sflag:s2] =	dma.local @!p0 [hbm:s0], s1  }
0x1f9: {  	s0 =	simm.s32 @!p0 $0x9  }
0x1fa: {  	_ =	swait.ge @!p0 [sflag:s0], s1  }
0x1fb: {  	s1 =	ssub.s32 @!p0 $0x0, s1;
	[sflag:s0] =	ssyncset.done @!p0 $0x0  }
0x1fc: {  	[sflag:s0] =	ssyncadd.s32 @!p0 s1  }
0x1fd: {  	[bflag:$0x3] =	sbarrier.arrive $0xFFFF  }
0x1fe: {  	_ =	shalt  }

// kernel: sparse-core-data-format-call.cloned.1.call-start
scs
called_computation_lowered:
.L_overlay_start_0:
0x0: {  	s2 =	sld [smem:$0x3FD9]  }
0x1: {  	s3 =	sld [smem:$0x3FFE];
	_ =	sdelay $0x1  }
0x2: {  	s1 =	srdreg.scid  }
0x3: {  	s0 =	sand.u32 $0x1, s1  }
0x4: {  	s18 =	sshll.u32 s0, $0xA;
	s2 =	sadd.s32 s3, s2  }
0x5: {  	s2 =	sadd.s32 s2, s18  }
0x6: {  	[smem:$0x3FC5] =	sst s2  }
0x7: {  	_ = 	snop  }
0x8: {  	s2 =	sld [smem:$0x3FD0];
	(tm) =	ssettm $0x1  }
0x9: {  	s19 =	sld [smem:$0x3FFB];
	_ =	sdelay $0x3  }
0xa: {  	_ =	strace s19  }
0xb: {  	s3 =	sld [smem:$0x3FFC];
	_ =	sdelay $0x3  }
0xc: {  	_ =	strace s3  }
0xd: {  	s3 =	sld [smem:$0x3FFD];
	_ =	sdelay $0x3  }
0xe: {  	_ =	strace s3  }
0xf: {  	_ =	strace $0x8FFFFFFF  }
0x10: {  	s20 =	sld [smem:$0x3FDB];
	_ =	sdelay $0x1  }
0x11: {  	s4 =	simm.s32 $_scs_section_size  }
0x12: {  	s5 =	simm.s32 $_size__tile_overlayer_lowered;
	s6 =	simm.s32 $_tile_overlayer_lowered  }
0x13: {  	s23 =	simm.s32 $0x1BFF;
	s22 =	sshll.u32 s6, $0x1;
	s3 =	sadd.s32 s4, s20  }
0x14: {  	s7 =	simm.s32 $0x0;
	s21 =	sshll.u32 s5, $0x1;
	s5 =	sadd.s32 s22, s3  }
0x15: {  	[timem:s7], [sflag:s23] =	dma.local [hbm:s5], s21  }
0x16: {  	_ =	swait.ge [sflag:s23], s21  }
0x17: {  	s4 =	ssub.s32 $0x0, s21;
	[sflag:s23] =	ssyncset.done $0x0  }
0x18: {  	[sflag:s23] =	ssyncadd.s32 s4;
	_ =	sdelay $0x1  }
0x19: {  	s24 =	simm.s32 $0x1B8B  }
0x1a: {  	_ =	swait.ge [sflag:s24], $0x1  }
0x1b: {  	[sflag:s24] =	ssyncset.done $0x0  }
0x1c: {  	s26 =	simm.s32 $0x1B8E;
	s25 =	sld [smem:$0x3FFE];
	[sflag:s24] =	ssyncadd.s32 $0xFFFFFFFF  }
0x1d: {  	s27 =	simm.s32 $execute0_lowered;
	[smem:$0x3FD2] =	sst s26  }
0x1e: {  	s5 =	sshll.u32 s27, $0x1;
	_ =	strace $0x80000049;
	[dreg:$0x1] =	wrdreg $0xFFFFFFFF  }
0x1f: {  	s28 =	simm.s32 $_size_execute0_lowered;
	s3 =	sadd.s32 s3, s5;
	[dreg:$0x0] =	wrdreg $0x0  }
0x20: {  	s5 =	sshll.u32 s28, $0x1;
	[dreg:$0x2] =	wrdreg s3  }
0x21: {  	[dreg:$0x3] =	wrdreg s5  }
0x22: {  	[dreg:$0x4] =	wrdreg $0xC0  }
0x23: {  	_ =	task [dreg:s7], $0x5FFFF  }
0x24: {  	[dreg:$0x1] =	wrdreg $0xFFFFFFFF  }
0x25: {  	[dreg:$0x0] =	wrdreg $0x60  }
0x26: {  	[dreg:$0x2] =	wrdreg s25  }
0x27: {  	[dreg:$0x3] =	wrdreg s2  }
0x28: {  	[dreg:$0x4] =	wrdreg $0x9  }
0x29: {  	_ =	task.clear_ibuf [dreg:s7], $0x5FFFF;
	_ =	strace $0x90000049  }
0x2a: {  	s29 =	simm.s32 $0x9;
	_ =	strace $0x8000004B  }
0x2b: {  	_ =	swait.ge [sflag:s29], $0x1  }
0x2c: {  	[sflag:s29] =	ssyncadd.s32 $0xFFFFFFFF  }
0x2d: {  	_ =	strace $0x9000004B  }
0x2e: {  	_ =	sfence  }
0x2f: {  	s30 =	sld [smem:$0x0];
	_ =	sdelay $0x2  }
0x30: {  	s31 =	sshll.u32 s1, $0xD;
	s1 =	sshrl.u32 s1, $0x2  }
0x31: {  	s3 =	sand.u32 $0x4000, s31;
	s1 =	sadd.s32 s1, s30  }
0x32: {  	s0 =	sor.u32 s3, s0;
	s1 =	sshll.u32 s1, $0x11  }
0x33: {  	s0 =	sor.u32 s1, s0  }
0x34: {  	s0 =	sadd.s32 $0x8F2B, s0  }
0x35: {  	[sflag:s0] =	ssyncadd.remote.s32 $0x1  }
0x36: {  	_ =	sfence.sel $0xFFFF  }
0x37: {  	[dreg:$0x0] =	wrdreg $0xFFFFFFFF;
	(pc) =	sbr.abs _section_cstart, $3  }
0x38: {  	[dreg:$0x1] =	wrdreg $0xFFFFFFFF  }
0x39: {  	_ =	task.clear_ibuf [dreg:s7], $0x2FFFF;
	_ =	strace $0x9FFFFFFF  }
0x3a: {  	(tm) =	ssettm $0x7FFFFFFF  }
0x3b: {  	_ =	shalt  }
tec
execute0_lowered:
.L_overlay_start_1:
0x0: {  	(tag) =	ssettag $0x1  }
0x1: {  	s0 =	srdreg.scid  }
0x2: {  	s7 =	rddreg [dreg:$0x0];
	s1 =	sshll.u32 s0, $0x4  }
0x3: {  	s3 =	rddreg [dreg:$0x1];
	s0 =	stileid.u32;
	s1 =	sand.u32 $0x10, s1  }
0x4: {  	s6 =	simm.s32 $0x1;
	s31 =	simm.s32 $0x2;
	s1 =	sor.u32 s0, s1  }
0x5: {  	s13 =	simm.s32 $0x0;
	s9 =	simm.s32 $0x1000;
	s2 =	sshll.u32 s1, $0x1  }
0x6: {  	s14 =	simm.s32 $0x0;
	s10 =	simm.s32 $0x0;
	s4 =	ssub.s32 $0x400, s2  }
0x7: {  	s12 =	simm.s32 $0x0;
	s1 =	rddreg [dreg:$0x2];
	s5 =	sand.u32 $0x3E, s4  }
.Ltmp0:
0x8: {  	_ =	strace $0x8000004A;
	p0 =	sne.s32 s5, $0x0;
	(pc) =	sbr.rel .LBB1_1-.Ltmp0, $4  }
0x9: {  	s11 =	smov.u32 s2;
	s8 =	sshrl.u32 s4, $0x6;
	s6 =	simm.s32 @!p0 $0x0  }
0xa: {  	s4 =	sadd.s32 $0xF43C00, s7;
	s5 =	simm.s32 $0x1;
	s6 =	sadd.s32 s6, s8  }
0xb: {  	s7 =	sadd.s32 $0xF45C00, s7;
	[sflag:s5] =	ssyncpa.u1 $0x0;
	s6 =	sshll.u32 s6, $0x2  }
0xc: {  	p0 =	por $0x0, $0x0;
	[sflag:s31] =	ssyncpa.u1 $0x0;
	s8 =	sor.u32 $0x1, s6  }
.LBB1_7:
0xd: {  	s15 =	sadd.s32 $0x80, s10  }
0xe: {  	s13 =	sadd.s32 $0x40, s11;
	s17 =	smov.u32 s11;
	p2 =	sgt.s32 s15, $0x1FF  }
0xf: {  	s17 =	smov.u32 @p2 s13  }
0x10: {  	s15 =	simm.s32 @p2 $0x0;
	p2 =	sgt.s32 s17, $0x3FF  }
0x11: {  	s17 =	smov.u32 @p2 s2;
	p2 =	sne.s32 s12, s8  }
.Ltmp1:
0x12: {  	p1 =	slt.u32 s12, $0x2;
	(pc) =	sbr.rel @!p2 .LBB1_8-.Ltmp1, $4  }
0x13: {  	s16 =	simm.s32 @!p1 $0x2  }
0x14: {  	s14 =	smov.u32 s11;
	p0 =	por !p0, !p0;
	_ =	swait.ge @!p1 [sflag:s16], $0x4000  }
0x15: {  	s13 =	smov.u32 s10;
	[sflag:s16] =	ssyncset.done @!p1 $0x0;
	s10 =	smov.u32 s15  }
0x16: {  	s12 =	sadd.s32 $0x1, s12;
	[sflag:s16] =	ssyncadd.s32 @!p1 $0xFFFFC000;
	s11 =	smov.u32 s17  }
.LBB1_1:
0x17: {  	p1 =	sge.u32 s12, s6  }
0x18: {  	s15 =	sxor.u32 @!p1 $0xFFFFFFFF, s12;
	s16 =	sshll.u32 @!p1 s11, $0xD  }
0x19: {  	s17 =	sshll.u32 @!p1 s10, $0x4;
	s19 =	simm.s32 @!p1 $0x40;
	s20 =	simm.s32 @!p1 $0x80  }
0x1a: {  	s15 =	sshll.u32 @!p1 s15, $0xE;
	s17 =	sand.u32 @!p1 $0x1FF0, s17;
	s18 =	sadd.s32 @!p1 s4, s16  }
0x1b: {  	s16 =	sadd.s32 @!p1 s16, s7;
	s15 =	sand.u32 @!p1 $0x4000, s15;
	s18 =	sadd.s32 @!p1 s17, s18  }
0x1c: {  	[tilespmem:s15], [sflag:$0x1] =	stream.strided.gather @!p1 [hbm4b:s18+s19], $0x2000, s20, s19, $0x38;
	[tilespmem:$0x10100] =	vst v63  }
0x1d: {  	s31 =	sadd.s32 $0xFFFFFFFF, s12;
	s16 =	sadd.s32 @!p1 s17, s16;
	s15 =	sor.u32 @!p1 $0x2000, s15  }
0x1e: {  	[tilespmem:s15], [sflag:$0x1] =	stream.strided.gather @!p1 [hbm4b:s16+s19], $0x2000, s20, s19, $0x38;
	[tilespmem:$0x10100] =	vst v63  }
0x1f: {  	p1 =	sge.u32 s31, s6  }
.Ltmp2:
0x20: {  	_ = 	snop;
	(pc) =	sbr.rel @p1 .LBB1_7-.Ltmp2, $1  }
0x21: {  	_ =	sdelay $0x3  }
0x22: {  	s15 =	simm.s32 $0x1;
	s17 =	sand.u32 $0x1, s12  }
0x23: {  	_ =	swait.ge [sflag:s5], $0x4000;
	s15 =	simm.s32 @!p0 $0x0;
	s17 =	smul.u32 $0x10200, s17  }
0x24: {  	p2 =	por $0x1, $0x1;
	[sflag:s5] =	ssyncset.done $0x0;
	s16 =	smul.u32 $0x10200, s15  }
0x25: {  	s18 =	sshll.u32 s15, $0x10;
	[sflag:s5] =	ssyncadd.s32 $0xFFFFC000;
	s30 =	sshrl.u32 s17, $0x2  }
0x26: {  	s31 =	sshrl.u32 s18, $0x2;
	s18 =	simm.s32 $0x0;
	s16 =	sshrl.u32 s16, $0x2  }
0x27: {  	s15 =	sor.u32 $0x8000, s30;
	s17 =	sadd.s32 $0x20, s31;
	s16 =	sor.u32 $0x8000, s16  }
.LBB1_3:
0x28: {  	s19 =	sshll.u32 s18, $0xD  }
0x29: {  	s19 =	sand.u32 $0x3FFFE000, s19  }
0x2a: {  	s21 =	sadd.s32 s19, s17  }
0x2b: {  	s31 =	smul.u32 $0x8100, s18;
	v3 =	vld [tilespmem:s21+$0x10]  }
0x2c: {  	v1 =	vld [tilespmem:s21+$0xFFFFFFF0]  }
0x2d: {  	s18 =	sshra.s32 s31, $0x2;
	v0 =	vld [tilespmem:s21+$0x0]  }
0x2e: {  	s18 =	sadd.s32 s18, s16;
	v2 =	vld [tilespmem:s21+$0xFFFFFFE0]  }
0x2f: {  	s19 =	sadd.s32 $0x0, s18  }
0x30: {  	p1 =	por p2, p2;
	s20 =	simm.s32 $0x4;
	s21 =	sadd.s32 $0x40, s21;
	[tilespmem:s19+$0x1830 ss:$0x81] =	vst.msk $0xffff, v3  }
.LBB1_4:
0x31: {  	v3 =	vld [tilespmem:s21+$0x10];
	p2 =	sne.s32 s20, $0x1FC;
	[tilespmem:s19+$0x810 ss:$0x81] =	vst.msk $0xffff, v1;
	s22 =	smov.u32 s20;
	s20 =	sadd.s32 $0x4, s20  }
.Ltmp3:
0x32: {  	v1 =	vld [tilespmem:s21+$0xFFFFFFF0];
	[tilespmem:s19+$0x1020 ss:$0x81] =	vst.msk $0xffff, v0;
	(pc) =	sbr.rel @p2 .LBB1_4-.Ltmp3, $4  }
0x33: {  	v0 =	vld [tilespmem:s21+$0x0];
	[tilespmem:s19+$0x0 ss:$0x81] =	vst.msk $0xffff, v2  }
0x34: {  	s19 =	sshra.s32 s22, $0x2;
	v2 =	vld [tilespmem:s21+$0xFFFFFFE0]  }
0x35: {  	s19 =	sadd.s32 s19, s18  }
0x36: {  	s21 =	sadd.s32 $0x40, s21;
	[tilespmem:s19+$0x1830 ss:$0x81] =	vst.msk $0xffff, v3  }
.Ltmp4:
0x37: {  	(pc) =	sbr.rel @p1 .LBB1_3-.Ltmp4, $4  }
0x38: {  	_ = 	snop  }
0x39: {  	[tilespmem:s19+$0x810 ss:$0x81] =	vst.msk $0xffff, v1  }
0x3a: {  	[tilespmem:s19+$0x1020 ss:$0x81] =	vst.msk $0xffff, v0  }
0x3b: {  	s18 =	simm.s32 $0x1;
	p2 =	por $0x0, $0x0;
	[tilespmem:s19+$0x0 ss:$0x81] =	vst.msk $0xffff, v2  }
.Ltmp5:
0x3c: {  	s16 =	sand.u32 $0xF80, s13;
	s14 =	sshll.u32 s14, $0xC;
	(pc) =	sbr.rel .LBB1_7-.Ltmp5, $4  }
0x3d: {  	s17 =	sshrl.u32 s13, $0x3;
	s31 =	sand.u32 $0x7, s13;
	s14 =	sadd.s32 s3, s14  }
0x3e: {  	s17 =	sand.u32 $0xF, s17;
	s13 =	sshll.u32 s31, $0x12;
	s14 =	sadd.s32 s16, s14  }
0x3f: {  	s13 =	sor.u32 $0x400, s13;
	s14 =	sadd.s32 s17, s14  }
0x40: {  	[hbm4b:s14+s13] =	stream.strided.scatter [tilespmem:s15], [sflag:$0x2], $0x4000, s9, s13, $0x20;
	[tilespmem:$0x10100] =	vst v63  }
.LBB1_8:
0x41: {  	_ =	sfence.sel $0x180000  }
0x42: {  	s2 =	simm.s32 $0x1;
	[bflag:$0x0] =	sbarrier.arrive $0xFFFF  }
0x43: {  	s31 =	simm.s32 $0x2;
	[sflag:s2] =	ssyncpa.u1 $0x1  }
0x44: {  	[sflag:s31] =	ssyncpa.u1 $0x1  }
0x45: {  	p0 =	sne.s32 s0, $0x0;
	_ =	strace $0x9000004A  }
0x46: {  	s0 =	sadd.s32 @!p0 $0x100000, s1;
	[bflag:$0x2] =	sbarrier.arrive $0xFFFF  }
0x47: {  	[sflag:s0] =	ssyncadd.tile.s32 @!p0 $0x1;
	_ =	shalt  }
.Lfunc_end1:
_tile_overlayer_lowered:
.L_overlay_start_2:
0x48: {  	(tag) =	ssettag $0x2  }
0x49: {  	s0 =	rddreg [dreg:$0x0];
	s2 =	stileid.u32  }
0x4a: {  	s1 =	rddreg [dreg:$0x1];
	p0 =	sne.s32 s2, $0x0  }
0x4b: {  	s3 =	rddreg [dreg:$0x2];
	[bflag:$0x3] =	sbarrier.arrive $0xFFFF;
	s2 =	simm.s32 @!p0 $0x1C01  }
0x4c: {  	[timem:s3], [sflag:s2] =	dma.local @!p0 [hbm:s0], s1  }
0x4d: {  	s0 =	simm.s32 @!p0 $0x1  }
0x4e: {  	_ =	swait.ge @!p0 [sflag:s0], s1  }
0x4f: {  	s1 =	ssub.s32 @!p0 $0x0, s1;
	[sflag:s0] =	ssyncset.done @!p0 $0x0  }
0x50: {  	[sflag:s0] =	ssyncadd.s32 @!p0 s1  }
0x51: {  	[bflag:$0x3] =	sbarrier.arrive $0xFFFF  }
0x52: {  	_ =	shalt  }

</sc_bundles>
